<compile_context>
chip_gen: v7x
topology: tpu7x:2x2x1
jax: 0.10.2.dev20260603
libtpu: 0.0.44.dev20260713+nightly
codegen_flags: <defaults>
</compile_context>

<pallas_src>
import functools

import jax
import jax.numpy as jnp
from jax import lax
from jax.experimental import pallas as pl
from jax.experimental.pallas import tpu as pltpu
from jax.experimental.pallas import tpu_sc as plsc

SMALL = 1e-10
EMB = 128
B = 4096
LC = 200
LC1 = 104
LQ = 20
NE = EMB // 16


def _pool_kernel(b_per_w, code_idx, query_idx, code_table, query_table):
    mesh = plsc.VectorSubcoreMesh(core_axis_name="c", subcore_axis_name="s")
    nc = mesh.num_cores
    npair = b_per_w // 2

    @functools.partial(
        pl.kernel,
        out_type=[
            jax.ShapeDtypeStruct((B, EMB), jnp.float32),
            jax.ShapeDtypeStruct((B, EMB), jnp.float32),
        ],
        mesh=mesh,
        compiler_params=pltpu.CompilerParams(use_tc_tiling_on_sc=False,
                                             needs_layout_passes=False),
        scratch_types=[
            pltpu.VMEM((b_per_w, LC), jnp.int32),
            pltpu.VMEM((b_per_w, LQ), jnp.int32),
            pltpu.VMEM((LC, EMB), jnp.bfloat16),
            pltpu.VMEM((LC, EMB), jnp.bfloat16),
            pltpu.VMEM((b_per_w, EMB), jnp.float32),
            pltpu.VMEM((b_per_w, EMB), jnp.float32),
            pltpu.SemaphoreType.DMA,
            pltpu.SemaphoreType.DMA,
        ],
    )
    def k(cidx_hbm, qidx_hbm, ctab_hbm, qtab_hbm, outc_hbm, outq_hbm,
          idx_c, idx_q, rows0, rows1, outc, outq, sem0, sem1):
        wid = lax.axis_index("s") * nc + lax.axis_index("c")
        base = wid * b_per_w
        pltpu.sync_copy(cidx_hbm.at[pl.ds(base, b_per_w)], idx_c)
        pltpu.sync_copy(qidx_hbm.at[pl.ds(base, b_per_w)], idx_q)

        def cstart(b, buf, sem):
            pltpu.make_async_copy(
                ctab_hbm.at[idx_c.at[b, pl.ds(0, LC1)]],
                buf.at[pl.ds(0, LC1)], sem).start()
            pltpu.make_async_copy(
                ctab_hbm.at[idx_c.at[b, pl.ds(LC1, LC - LC1)]],
                buf.at[pl.ds(LC1, LC - LC1)], sem).start()

        def cwait(buf, sem):
            pltpu.make_async_copy(
                ctab_hbm.at[idx_c.at[0, pl.ds(0, LC1)]],
                buf.at[pl.ds(0, LC1)], sem).wait()
            pltpu.make_async_copy(
                ctab_hbm.at[idx_c.at[0, pl.ds(LC1, LC - LC1)]],
                buf.at[pl.ds(LC1, LC - LC1)], sem).wait()

        def accum(buf, n, out_ref, b):
            def acc1(l, accs):
                out = list(accs)
                for kk in range(NE // 2):
                    x = buf[l, pl.ds(kk * 32, 32)]
                    u0, u1 = plsc.unpack(
                        x, format=plsc.PackFormat.INTERLEAVED,
                        preferred_element_type=jnp.float32)
                    out[2 * kk] = out[2 * kk] + u0
                    out[2 * kk + 1] = out[2 * kk + 1] + u1
                return tuple(out)
            accs = lax.fori_loop(
                0, n, acc1,
                tuple(jnp.zeros((16,), jnp.float32) for _ in range(NE)))
            for e in range(NE):
                out_ref[b, pl.ds(e * 16, 16)] = accs[e]

        cstart(0, rows0, sem0)

        def code_pair(g, _):
            b0 = 2 * g
            cstart(b0 + 1, rows1, sem1)
            cwait(rows0, sem0)
            accum(rows0, LC, outc, b0)

            @pl.when(g < npair - 1)
            def _():
                cstart(b0 + 2, rows0, sem0)
            cwait(rows1, sem1)
            accum(rows1, LC, outc, b0 + 1)
            return 0

        lax.fori_loop(0, npair, code_pair, 0)

        def qstart(b, buf, sem):
            pltpu.make_async_copy(
                qtab_hbm.at[idx_q.at[b, pl.ds(0, LQ)]],
                buf.at[pl.ds(0, LQ)], sem).start()

        def qwait(buf, sem):
            pltpu.make_async_copy(
                qtab_hbm.at[idx_q.at[0, pl.ds(0, LQ)]],
                buf.at[pl.ds(0, LQ)], sem).wait()

        qstart(0, rows0, sem0)

        def query_pair(g, _):
            b0 = 2 * g
            qstart(b0 + 1, rows1, sem1)
            qwait(rows0, sem0)
            accum(rows0, LQ, outq, b0)

            @pl.when(g < npair - 1)
            def _():
                qstart(b0 + 2, rows0, sem0)
            qwait(rows1, sem1)
            accum(rows1, LQ, outq, b0 + 1)
            return 0

        lax.fori_loop(0, npair, query_pair, 0)

        pltpu.sync_copy(outc, outc_hbm.at[pl.ds(base, b_per_w)])
        pltpu.sync_copy(outq, outq_hbm.at[pl.ds(base, b_per_w)])

    return k(code_idx, query_idx, code_table, query_table)


def _convert_body(x_ref, o_ref):
    o_ref[...] = x_ref[...].astype(jnp.bfloat16)


def _to_bf16(table):
    rows = table.shape[0]
    blk = 5000
    return pl.pallas_call(
        _convert_body,
        grid=(rows // blk,),
        in_specs=[pl.BlockSpec((blk, EMB), lambda i: (i, 0))],
        out_specs=pl.BlockSpec((blk, EMB), lambda i: (i, 0)),
        out_shape=jax.ShapeDtypeStruct((rows, EMB), jnp.bfloat16),
    )(table)


def _convert2_body(c_ref, q_ref, oc_ref, oq_ref):
    oc_ref[...] = c_ref[...].astype(jnp.bfloat16)
    oq_ref[...] = q_ref[...].astype(jnp.bfloat16)


def _both_to_bf16(code_table, query_table):
    rows = code_table.shape[0]
    blk = 5000
    return pl.pallas_call(
        _convert2_body,
        grid=(rows // blk,),
        in_specs=[pl.BlockSpec((blk, EMB), lambda i: (i, 0)),
                  pl.BlockSpec((blk, EMB), lambda i: (i, 0))],
        out_specs=[pl.BlockSpec((blk, EMB), lambda i: (i, 0)),
                   pl.BlockSpec((blk, EMB), lambda i: (i, 0))],
        out_shape=[jax.ShapeDtypeStruct((rows, EMB), jnp.bfloat16),
                   jax.ShapeDtypeStruct((rows, EMB), jnp.bfloat16)],
    )(code_table, query_table)


def _sim_body(q_ref, c_ref, o_ref):
    q = q_ref[...]
    c = c_ref[...]
    qn = q / (jnp.sqrt(jnp.sum(q * q, axis=1, keepdims=True)) + SMALL)
    cn = c / (jnp.sqrt(jnp.sum(c * c, axis=1, keepdims=True)) + SMALL)
    o_ref[...] = lax.dot_general(
        qn.astype(jnp.bfloat16), cn.astype(jnp.bfloat16),
        (((1,), (1,)), ((), ())),
        preferred_element_type=jnp.float32)


def _similarity(pooled_q, pooled_c):
    bq = 512
    bc = 512
    return pl.pallas_call(
        _sim_body,
        grid=(B // bq, B // bc),
        in_specs=[
            pl.BlockSpec((bq, EMB), lambda i, j: (i, 0)),
            pl.BlockSpec((bc, EMB), lambda i, j: (j, 0)),
        ],
        out_specs=pl.BlockSpec((bq, bc), lambda i, j: (i, j)),
        out_shape=jax.ShapeDtypeStruct((B, B), jnp.float32),
    )(pooled_q, pooled_c)


def kernel(code_seqs, query_seqs, code_table, query_table):
    code_idx = code_seqs.astype(jnp.int32)
    query_idx = query_seqs.astype(jnp.int32)
    mesh = plsc.VectorSubcoreMesh(core_axis_name="c", subcore_axis_name="s")
    nw = mesh.num_cores * mesh.num_subcores
    ctab16, qtab16 = _both_to_bf16(code_table, query_table)
    pooled_c, pooled_q = _pool_kernel(
        B // nw, code_idx, query_idx, ctab16, qtab16)
    return _similarity(pooled_q, pooled_c)

# --- scband reference (transcript-rebuilt; emitter-appended) ---
"""Pipeline reference for scband-code-search-net-24464133718192 (READ-ONLY COPY).

The authoritative reference and input builder live on the scoring server;
editing this copy changes nothing except your own understanding.
"""

import jax, jax.numpy as jnp
import numpy as np

SMALL_NUMBER = 1e-10
VOCAB_CODE = 100000
VOCAB_QUERY = 100000
EMB = 128
B = 4096
L_CODE = 200
L_QUERY = 20


def setup_inputs(seed: int = 0) -> dict:
    key = jax.random.key(seed)
    k1, k2, k3, k4 = jax.random.split(key, 4)
    code_seqs = jax.random.randint(k1, (B, L_CODE), 0, VOCAB_CODE, dtype=jnp.int64 if jax.config.jax_enable_x64 else jnp.int32)
    query_seqs = jax.random.randint(k2, (B, L_QUERY), 0, VOCAB_QUERY, dtype=jnp.int64 if jax.config.jax_enable_x64 else jnp.int32)
    code_table = jax.random.normal(k3, (VOCAB_CODE, EMB), dtype=jnp.float32)
    query_table = jax.random.normal(k4, (VOCAB_QUERY, EMB), dtype=jnp.float32)
    # padding_idx=0 -> row 0 is zeros (torch nn.Embedding padding_idx semantics)
    code_table = code_table.at[0].set(0.0)
    query_table = query_table.at[0].set(0.0)
    return {"code_seqs": code_seqs, "query_seqs": query_seqs, "code_table": code_table, "query_table": query_table}


def _mask_aware_mean(embedding):
    mask = (jnp.sum(jnp.abs(embedding), axis=2, keepdims=True) != 0).astype(jnp.float32)
    non_masked_rows = jnp.sum(mask, axis=1)
    return jnp.sum(embedding, axis=1) / (non_masked_rows + SMALL_NUMBER)


def reference(code_seqs, query_seqs, code_table, query_table):
    # encode_query (dropout is identity at eval)
    query_embeds = jnp.take(query_table, query_seqs, axis=0)
    query_embeds_mean = _mask_aware_mean(query_embeds)
    # encode_code for the single language
    code_embeds = jnp.take(code_table, code_seqs, axis=0)
    code_embeds_mean = _mask_aware_mean(code_embeds)
    query_norm = jnp.linalg.norm(query_embeds_mean, axis=1, keepdims=True) + SMALL_NUMBER
    code_norm = jnp.linalg.norm(code_embeds_mean, axis=1, keepdims=True) + SMALL_NUMBER
    return jnp.matmul(query_embeds_mean / query_norm, (code_embeds_mean / code_norm).T)

if __name__ == "__main__":
    import jax
    _d = setup_inputs()
    print(jax.jit(kernel)(*tuple(_d.values())))

</pallas_src>

<mosaic_0001>
#map = affine_map<(d0, d1) -> (0, 0)>
module attributes {stable_mosaic.version = 14 : i64} {
  func.func @k(%arg0: i32, %arg1: i32, %arg2: memref<4096x200xi32, #tpu.memory_space<hbm>>, %arg3: memref<4096x20xi32, #tpu.memory_space<hbm>>, %arg4: memref<100000x128xbf16, #tpu.memory_space<hbm>>, %arg5: memref<100000x128xbf16, #tpu.memory_space<hbm>>, %arg6: memref<4096x128xf32, #tpu.memory_space<hbm>>, %arg7: memref<4096x128xf32, #tpu.memory_space<hbm>>, %arg8: memref<128x200xi32, #tpu.memory_space<vmem>>, %arg9: memref<128x20xi32, #tpu.memory_space<vmem>>, %arg10: memref<200x128xbf16, #tpu.memory_space<vmem>>, %arg11: memref<200x128xbf16, #tpu.memory_space<vmem>>, %arg12: memref<128x128xf32, #tpu.memory_space<vmem>>, %arg13: memref<128x128xf32, #tpu.memory_space<vmem>>, %arg14: memref<!tpu.dma_semaphore, #tpu.memory_space<semaphore_mem>>, %arg15: memref<!tpu.dma_semaphore, #tpu.memory_space<semaphore_mem>>) attributes {dimension_semantics = [#tpu.dimension_semantics<core_parallel>, #tpu.dimension_semantics<subcore_parallel>], iteration_bounds = array<i64: 2, 16>, scalar_prefetch = 0 : i64, scratch_operands = 8 : i64, tpu.core_type = #tpu.core_type<sc_vector_subcore>, window_params = [{transform_indices = #map}, {transform_indices = #map}, {transform_indices = #map}, {transform_indices = #map}, {transform_indices = #map}, {transform_indices = #map}]} {
    %mul3A = arith.constant 2 : i32
    %mul3A_0 = arith.muli %arg1, %mul3A : i32
    %add3A = arith.addi %mul3A_0, %arg0 : i32
    %mul3A_1 = arith.constant 128 : i32
    %mul3A_2 = arith.muli %add3A, %mul3A_1 : i32
    "tpu.region"() ({
      %run_scoped3A = tpu.sem_alloc : memref<!tpu.dma_semaphore, #tpu.memory_space<semaphore_mem>>
      %dma_start3A_45 = arith.constant 0 : i32
      %dma_start3A_46 = tpu.memref_slice %arg2[%mul3A_2, %dma_start3A_45] : memref<4096x200xi32, #tpu.memory_space<hbm>> -> memref<128x200xi32, #tpu.memory_space<hbm>>
      %dma_start3A_47 = arith.constant 0 : i32
      %dma_start3A_48 = tpu.memref_slice %arg2[%mul3A_2, %dma_start3A_47] : memref<4096x200xi32, #tpu.memory_space<hbm>> -> memref<128x200xi32, #tpu.memory_space<hbm>>
      tpu.enqueue_dma source(%dma_start3A_48 : memref<128x200xi32, #tpu.memory_space<hbm>>) target(%arg8 : memref<128x200xi32, #tpu.memory_space<vmem>>) target_semaphore(%run_scoped3A : memref<!tpu.dma_semaphore, #tpu.memory_space<semaphore_mem>>)
      %dma_wait3A = arith.constant 0 : i32
      %dma_wait3A_49 = tpu.memref_slice %arg2[%mul3A_2, %dma_wait3A] : memref<4096x200xi32, #tpu.memory_space<hbm>> -> memref<128x200xi32, #tpu.memory_space<hbm>>
      %dma_wait3A_50 = arith.constant 0 : i32
      %dma_wait3A_51 = tpu.memref_slice %arg2[%mul3A_2, %dma_wait3A_50] : memref<4096x200xi32, #tpu.memory_space<hbm>> -> memref<128x200xi32, #tpu.memory_space<hbm>>
      tpu.wait_dma2 semaphore(%run_scoped3A : memref<!tpu.dma_semaphore, #tpu.memory_space<semaphore_mem>>) src(%dma_wait3A_51 : memref<128x200xi32, #tpu.memory_space<hbm>>) dst(%arg8 : memref<128x200xi32, #tpu.memory_space<vmem>>)
      tpu.yield
    }) : () -> ()
    "tpu.region"() ({
      %run_scoped3A = tpu.sem_alloc : memref<!tpu.dma_semaphore, #tpu.memory_space<semaphore_mem>>
      %dma_start3A_45 = arith.constant 0 : i32
      %dma_start3A_46 = tpu.memref_slice %arg3[%mul3A_2, %dma_start3A_45] : memref<4096x20xi32, #tpu.memory_space<hbm>> -> memref<128x20xi32, #tpu.memory_space<hbm>>
      %dma_start3A_47 = arith.constant 0 : i32
      %dma_start3A_48 = tpu.memref_slice %arg3[%mul3A_2, %dma_start3A_47] : memref<4096x20xi32, #tpu.memory_space<hbm>> -> memref<128x20xi32, #tpu.memory_space<hbm>>
      tpu.enqueue_dma source(%dma_start3A_48 : memref<128x20xi32, #tpu.memory_space<hbm>>) target(%arg9 : memref<128x20xi32, #tpu.memory_space<vmem>>) target_semaphore(%run_scoped3A : memref<!tpu.dma_semaphore, #tpu.memory_space<semaphore_mem>>)
      %dma_wait3A = arith.constant 0 : i32
      %dma_wait3A_49 = tpu.memref_slice %arg3[%mul3A_2, %dma_wait3A] : memref<4096x20xi32, #tpu.memory_space<hbm>> -> memref<128x20xi32, #tpu.memory_space<hbm>>
      %dma_wait3A_50 = arith.constant 0 : i32
      %dma_wait3A_51 = tpu.memref_slice %arg3[%mul3A_2, %dma_wait3A_50] : memref<4096x20xi32, #tpu.memory_space<hbm>> -> memref<128x20xi32, #tpu.memory_space<hbm>>
      tpu.wait_dma2 semaphore(%run_scoped3A : memref<!tpu.dma_semaphore, #tpu.memory_space<semaphore_mem>>) src(%dma_wait3A_51 : memref<128x20xi32, #tpu.memory_space<hbm>>) dst(%arg9 : memref<128x20xi32, #tpu.memory_space<vmem>>)
      tpu.yield
    }) : () -> ()
    %dma_start3A = arith.constant 0 : i32
    %dma_start3A_3 = arith.constant 0 : i32
    %dma_start3A_4 = arith.constant 0 : i32
    %dma_start3A_5 = tpu.memref_slice %arg10[%dma_start3A_3, %dma_start3A_4] : memref<200x128xbf16, #tpu.memory_space<vmem>> -> memref<104x128xbf16, #tpu.memory_space<vmem>>
    %dma_start3A_6 = arith.constant 0 : i32
    %dma_start3A_7 = tpu.memref_slice %arg8[%dma_start3A, %dma_start3A_6] : memref<128x200xi32, #tpu.memory_space<vmem>> -> memref<1x104xi32, #tpu.memory_space<vmem>>
    %dma_start3A_8 = tpu.memref_squeeze %dma_start3A_7 : memref<1x104xi32, #tpu.memory_space<vmem>> -> memref<104xi32, #tpu.memory_space<vmem>>
    %dma_start3A_9 = arith.constant 0 : i32
    %dma_start3A_10 = arith.constant 0 : i32
    %dma_start3A_11 = tpu.memref_slice %arg4[%dma_start3A_9, %dma_start3A_10] : memref<100000x128xbf16, #tpu.memory_space<hbm>> -> memref<100000x128xbf16, #tpu.memory_space<hbm>>
    tpu.enqueue_indirect_dma source(%dma_start3A_11 : memref<100000x128xbf16, #tpu.memory_space<hbm>>) target(%dma_start3A_5 : memref<104x128xbf16, #tpu.memory_space<vmem>>) offsets(%dma_start3A_8 : memref<104xi32, #tpu.memory_space<vmem>>) semaphore(%arg14 : memref<!tpu.dma_semaphore, #tpu.memory_space<semaphore_mem>>)
    %dma_start3A_12 = arith.constant 0 : i32
    %dma_start3A_13 = arith.constant 104 : i32
    %dma_start3A_14 = arith.constant 0 : i32
    %dma_start3A_15 = tpu.memref_slice %arg10[%dma_start3A_13, %dma_start3A_14] : memref<200x128xbf16, #tpu.memory_space<vmem>> -> memref<96x128xbf16, #tpu.memory_space<vmem>>
    %dma_start3A_16 = arith.constant 104 : i32
    %dma_start3A_17 = tpu.memref_slice %arg8[%dma_start3A_12, %dma_start3A_16] : memref<128x200xi32, #tpu.memory_space<vmem>> -> memref<1x96xi32, #tpu.memory_space<vmem>>
    %dma_start3A_18 = tpu.memref_squeeze %dma_start3A_17 : memref<1x96xi32, #tpu.memory_space<vmem>> -> memref<96xi32, #tpu.memory_space<vmem>>
    %dma_start3A_19 = arith.constant 0 : i32
    %dma_start3A_20 = arith.constant 0 : i32
    %dma_start3A_21 = tpu.memref_slice %arg4[%dma_start3A_19, %dma_start3A_20] : memref<100000x128xbf16, #tpu.memory_space<hbm>> -> memref<100000x128xbf16, #tpu.memory_space<hbm>>
    tpu.enqueue_indirect_dma source(%dma_start3A_21 : memref<100000x128xbf16, #tpu.memory_space<hbm>>) target(%dma_start3A_15 : memref<96x128xbf16, #tpu.memory_space<vmem>>) offsets(%dma_start3A_18 : memref<96xi32, #tpu.memory_space<vmem>>) semaphore(%arg14 : memref<!tpu.dma_semaphore, #tpu.memory_space<semaphore_mem>>)
    %scan3A = arith.constant 0 : i32
    %scan3A_22 = arith.constant 0 : i32
    %scan3A_23 = arith.constant 64 : i32
    %scan3A_24 = arith.addi %scan3A_22, %scan3A_23 : i32
    %scan3A_25 = arith.constant 1 : i32
    %scan3A_26 = scf.for %scan3A_45 = %scan3A_22 to %scan3A_24 step %scan3A_25 iter_args(%scan3A_46 = %scan3A) -> (i32)  : i32 {
      %mul3A_47 = arith.constant 2 : i32
      %mul3A_48 = arith.muli %mul3A_47, %scan3A_45 : i32
      %add3A_49 = arith.constant 1 : i32
      %add3A_50 = arith.addi %mul3A_48, %add3A_49 : i32
      %dma_start3A_51 = arith.constant 0 : i32
      %dma_start3A_52 = arith.constant 0 : i32
      %dma_start3A_53 = tpu.memref_slice %arg11[%dma_start3A_51, %dma_start3A_52] : memref<200x128xbf16, #tpu.memory_space<vmem>> -> memref<104x128xbf16, #tpu.memory_space<vmem>>
      %dma_start3A_54 = arith.constant 0 : i32
      %dma_start3A_55 = tpu.memref_slice %arg8[%add3A_50, %dma_start3A_54] : memref<128x200xi32, #tpu.memory_space<vmem>> -> memref<1x104xi32, #tpu.memory_space<vmem>>
      %dma_start3A_56 = tpu.memref_squeeze %dma_start3A_55 : memref<1x104xi32, #tpu.memory_space<vmem>> -> memref<104xi32, #tpu.memory_space<vmem>>
      %dma_start3A_57 = arith.constant 0 : i32
      %dma_start3A_58 = arith.constant 0 : i32
      %dma_start3A_59 = tpu.memref_slice %arg4[%dma_start3A_57, %dma_start3A_58] : memref<100000x128xbf16, #tpu.memory_space<hbm>> -> memref<100000x128xbf16, #tpu.memory_space<hbm>>
      tpu.enqueue_indirect_dma source(%dma_start3A_59 : memref<100000x128xbf16, #tpu.memory_space<hbm>>) target(%dma_start3A_53 : memref<104x128xbf16, #tpu.memory_space<vmem>>) offsets(%dma_start3A_56 : memref<104xi32, #tpu.memory_space<vmem>>) semaphore(%arg15 : memref<!tpu.dma_semaphore, #tpu.memory_space<semaphore_mem>>)
      %dma_start3A_60 = arith.constant 104 : i32
      %dma_start3A_61 = arith.constant 0 : i32
      %dma_start3A_62 = tpu.memref_slice %arg11[%dma_start3A_60, %dma_start3A_61] : memref<200x128xbf16, #tpu.memory_space<vmem>> -> memref<96x128xbf16, #tpu.memory_space<vmem>>
      %dma_start3A_63 = arith.constant 104 : i32
      %dma_start3A_64 = tpu.memref_slice %arg8[%add3A_50, %dma_start3A_63] : memref<128x200xi32, #tpu.memory_space<vmem>> -> memref<1x96xi32, #tpu.memory_space<vmem>>
      %dma_start3A_65 = tpu.memref_squeeze %dma_start3A_64 : memref<1x96xi32, #tpu.memory_space<vmem>> -> memref<96xi32, #tpu.memory_space<vmem>>
      %dma_start3A_66 = arith.constant 0 : i32
      %dma_start3A_67 = arith.constant 0 : i32
      %dma_start3A_68 = tpu.memref_slice %arg4[%dma_start3A_66, %dma_start3A_67] : memref<100000x128xbf16, #tpu.memory_space<hbm>> -> memref<100000x128xbf16, #tpu.memory_space<hbm>>
      tpu.enqueue_indirect_dma source(%dma_start3A_68 : memref<100000x128xbf16, #tpu.memory_space<hbm>>) target(%dma_start3A_62 : memref<96x128xbf16, #tpu.memory_space<vmem>>) offsets(%dma_start3A_65 : memref<96xi32, #tpu.memory_space<vmem>>) semaphore(%arg15 : memref<!tpu.dma_semaphore, #tpu.memory_space<semaphore_mem>>)
      %dma_wait3A = arith.constant 0 : i32
      %dma_wait3A_69 = arith.constant 0 : i32
      %dma_wait3A_70 = arith.constant 0 : i32
      %dma_wait3A_71 = tpu.memref_slice %arg10[%dma_wait3A_69, %dma_wait3A_70] : memref<200x128xbf16, #tpu.memory_space<vmem>> -> memref<104x128xbf16, #tpu.memory_space<vmem>>
      %dma_wait3A_72 = arith.constant 0 : i32
      %dma_wait3A_73 = tpu.memref_slice %arg8[%dma_wait3A, %dma_wait3A_72] : memref<128x200xi32, #tpu.memory_space<vmem>> -> memref<1x104xi32, #tpu.memory_space<vmem>>
      %dma_wait3A_74 = tpu.memref_squeeze %dma_wait3A_73 : memref<1x104xi32, #tpu.memory_space<vmem>> -> memref<104xi32, #tpu.memory_space<vmem>>
      %dma_wait3A_75 = arith.constant 0 : i32
      %dma_wait3A_76 = arith.constant 0 : i32
      %dma_wait3A_77 = tpu.memref_slice %arg4[%dma_wait3A_75, %dma_wait3A_76] : memref<100000x128xbf16, #tpu.memory_space<hbm>> -> memref<100000x128xbf16, #tpu.memory_space<hbm>>
      tpu.wait_indirect_dma semaphore(%arg14 : memref<!tpu.dma_semaphore, #tpu.memory_space<semaphore_mem>>) src(%dma_wait3A_77 : memref<100000x128xbf16, #tpu.memory_space<hbm>>) dst(%dma_wait3A_71 : memref<104x128xbf16, #tpu.memory_space<vmem>>)
      %dma_wait3A_78 = arith.constant 0 : i32
      %dma_wait3A_79 = arith.constant 104 : i32
      %dma_wait3A_80 = arith.constant 0 : i32
      %dma_wait3A_81 = tpu.memref_slice %arg10[%dma_wait3A_79, %dma_wait3A_80] : memref<200x128xbf16, #tpu.memory_space<vmem>> -> memref<96x128xbf16, #tpu.memory_space<vmem>>
      %dma_wait3A_82 = arith.constant 104 : i32
      %dma_wait3A_83 = tpu.memref_slice %arg8[%dma_wait3A_78, %dma_wait3A_82] : memref<128x200xi32, #tpu.memory_space<vmem>> -> memref<1x96xi32, #tpu.memory_space<vmem>>
      %dma_wait3A_84 = tpu.memref_squeeze %dma_wait3A_83 : memref<1x96xi32, #tpu.memory_space<vmem>> -> memref<96xi32, #tpu.memory_space<vmem>>
      %dma_wait3A_85 = arith.constant 0 : i32
      %dma_wait3A_86 = arith.constant 0 : i32
      %dma_wait3A_87 = tpu.memref_slice %arg4[%dma_wait3A_85, %dma_wait3A_86] : memref<100000x128xbf16, #tpu.memory_space<hbm>> -> memref<100000x128xbf16, #tpu.memory_space<hbm>>
      tpu.wait_indirect_dma semaphore(%arg14 : memref<!tpu.dma_semaphore, #tpu.memory_space<semaphore_mem>>) src(%dma_wait3A_87 : memref<100000x128xbf16, #tpu.memory_space<hbm>>) dst(%dma_wait3A_81 : memref<96x128xbf16, #tpu.memory_space<vmem>>)
      %broadcast_in_dim3A = arith.constant 0.000000e+00 : f32
      %broadcast_in_dim3A_88 = vector.broadcast %broadcast_in_dim3A : f32 to vector<16xf32>
      %broadcast_in_dim3A_89 = arith.constant 0.000000e+00 : f32
      %broadcast_in_dim3A_90 = vector.broadcast %broadcast_in_dim3A_89 : f32 to vector<16xf32>
      %broadcast_in_dim3A_91 = arith.constant 0.000000e+00 : f32
      %broadcast_in_dim3A_92 = vector.broadcast %broadcast_in_dim3A_91 : f32 to vector<16xf32>
      %broadcast_in_dim3A_93 = arith.constant 0.000000e+00 : f32
      %broadcast_in_dim3A_94 = vector.broadcast %broadcast_in_dim3A_93 : f32 to vector<16xf32>
      %broadcast_in_dim3A_95 = arith.constant 0.000000e+00 : f32
      %broadcast_in_dim3A_96 = vector.broadcast %broadcast_in_dim3A_95 : f32 to vector<16xf32>
      %broadcast_in_dim3A_97 = arith.constant 0.000000e+00 : f32
      %broadcast_in_dim3A_98 = vector.broadcast %broadcast_in_dim3A_97 : f32 to vector<16xf32>
      %broadcast_in_dim3A_99 = arith.constant 0.000000e+00 : f32
      %broadcast_in_dim3A_100 = vector.broadcast %broadcast_in_dim3A_99 : f32 to vector<16xf32>
      %broadcast_in_dim3A_101 = arith.constant 0.000000e+00 : f32
      %broadcast_in_dim3A_102 = vector.broadcast %broadcast_in_dim3A_101 : f32 to vector<16xf32>
      %scan3A_103 = arith.constant 0 : i32
      %scan3A_104 = arith.constant 200 : i32
      %scan3A_105 = arith.addi %scan3A_103, %scan3A_104 : i32
      %scan3A_106 = arith.constant 1 : i32
      %scan3A_107:8 = scf.for %scan3A_203 = %scan3A_103 to %scan3A_105 step %scan3A_106 iter_args(%scan3A_204 = %broadcast_in_dim3A_88, %scan3A_205 = %broadcast_in_dim3A_90, %scan3A_206 = %broadcast_in_dim3A_92, %scan3A_207 = %broadcast_in_dim3A_94, %scan3A_208 = %broadcast_in_dim3A_96, %scan3A_209 = %broadcast_in_dim3A_98, %scan3A_210 = %broadcast_in_dim3A_100, %scan3A_211 = %broadcast_in_dim3A_102) -> (vector<16xf32>, vector<16xf32>, vector<16xf32>, vector<16xf32>, vector<16xf32>, vector<16xf32>, vector<16xf32>, vector<16xf32>)  : i32 {
        %get3A = arith.index_cast %scan3A_203 : i32 to index
        %get3A_212 = arith.constant 0 : index
        %get3A_213 = tpu.vector_load %arg10[%get3A, %get3A_212] {strides = array<i32>} : memref<200x128xbf16, #tpu.memory_space<vmem>>, vector<32xbf16>,
        %unpack3A = tpu.unpack_subelements %get3A_213, 0 {pack_format = #tpu.pack_format<interleaved>} : vector<32xbf16> -> vector<16xf32>
        %unpack3A_214 = tpu.unpack_subelements %get3A_213, 1 {pack_format = #tpu.pack_format<interleaved>} : vector<32xbf16> -> vector<16xf32>
        %add3A_215 = arith.addf %scan3A_204, %unpack3A : vector<16xf32>
        %add3A_216 = arith.addf %scan3A_205, %unpack3A_214 : vector<16xf32>
        %get3A_217 = arith.index_cast %scan3A_203 : i32 to index
        %get3A_218 = arith.constant 32 : index
        %get3A_219 = tpu.vector_load %arg10[%get3A_217, %get3A_218] {strides = array<i32>} : memref<200x128xbf16, #tpu.memory_space<vmem>>, vector<32xbf16>,
        %unpack3A_220 = tpu.unpack_subelements %get3A_219, 0 {pack_format = #tpu.pack_format<interleaved>} : vector<32xbf16> -> vector<16xf32>
        %unpack3A_221 = tpu.unpack_subelements %get3A_219, 1 {pack_format = #tpu.pack_format<interleaved>} : vector<32xbf16> -> vector<16xf32>
        %add3A_222 = arith.addf %scan3A_206, %unpack3A_220 : vector<16xf32>
        %add3A_223 = arith.addf %scan3A_207, %unpack3A_221 : vector<16xf32>
        %get3A_224 = arith.index_cast %scan3A_203 : i32 to index
        %get3A_225 = arith.constant 64 : index
        %get3A_226 = tpu.vector_load %arg10[%get3A_224, %get3A_225] {strides = array<i32>} : memref<200x128xbf16, #tpu.memory_space<vmem>>, vector<32xbf16>,
        %unpack3A_227 = tpu.unpack_subelements %get3A_226, 0 {pack_format = #tpu.pack_format<interleaved>} : vector<32xbf16> -> vector<16xf32>
        %unpack3A_228 = tpu.unpack_subelements %get3A_226, 1 {pack_format = #tpu.pack_format<interleaved>} : vector<32xbf16> -> vector<16xf32>
        %add3A_229 = arith.addf %scan3A_208, %unpack3A_227 : vector<16xf32>
        %add3A_230 = arith.addf %scan3A_209, %unpack3A_228 : vector<16xf32>
        %get3A_231 = arith.index_cast %scan3A_203 : i32 to index
        %get3A_232 = arith.constant 96 : index
        %get3A_233 = tpu.vector_load %arg10[%get3A_231, %get3A_232] {strides = array<i32>} : memref<200x128xbf16, #tpu.memory_space<vmem>>, vector<32xbf16>,
        %unpack3A_234 = tpu.unpack_subelements %get3A_233, 0 {pack_format = #tpu.pack_format<interleaved>} : vector<32xbf16> -> vector<16xf32>
        %unpack3A_235 = tpu.unpack_subelements %get3A_233, 1 {pack_format = #tpu.pack_format<interleaved>} : vector<32xbf16> -> vector<16xf32>
        %add3A_236 = arith.addf %scan3A_210, %unpack3A_234 : vector<16xf32>
        %add3A_237 = arith.addf %scan3A_211, %unpack3A_235 : vector<16xf32>
        scf.yield %add3A_215, %add3A_216, %add3A_222, %add3A_223, %add3A_229, %add3A_230, %add3A_236, %add3A_237 : vector<16xf32>, vector<16xf32>, vector<16xf32>, vector<16xf32>, vector<16xf32>, vector<16xf32>, vector<16xf32>, vector<16xf32>
      }
      %scan3A_108 = arith.constant 200 : i32
      %swap3A = arith.index_cast %mul3A_48 : i32 to index
      %swap3A_109 = arith.constant 0 : index
      %swap3A_110 = tpu.vector_load %arg12[%swap3A, %swap3A_109] {strides = array<i32>} : memref<128x128xf32, #tpu.memory_space<vmem>>, vector<16xf32>,
      tpu.vector_store %arg12[%swap3A, %swap3A_109], %scan3A_107#0 {strides = array<i32>} : memref<128x128xf32, #tpu.memory_space<vmem>>, vector<16xf32>,
      %swap3A_111 = arith.index_cast %mul3A_48 : i32 to index
      %swap3A_112 = arith.constant 16 : index
      %swap3A_113 = tpu.vector_load %arg12[%swap3A_111, %swap3A_112] {strides = array<i32>} : memref<128x128xf32, #tpu.memory_space<vmem>>, vector<16xf32>,
      tpu.vector_store %arg12[%swap3A_111, %swap3A_112], %scan3A_107#1 {strides = array<i32>} : memref<128x128xf32, #tpu.memory_space<vmem>>, vector<16xf32>,
      %swap3A_114 = arith.index_cast %mul3A_48 : i32 to index
      %swap3A_115 = arith.constant 32 : index
      %swap3A_116 = tpu.vector_load %arg12[%swap3A_114, %swap3A_115] {strides = array<i32>} : memref<128x128xf32, #tpu.memory_space<vmem>>, vector<16xf32>,
      tpu.vector_store %arg12[%swap3A_114, %swap3A_115], %scan3A_107#2 {strides = array<i32>} : memref<128x128xf32, #tpu.memory_space<vmem>>, vector<16xf32>,
      %swap3A_117 = arith.index_cast %mul3A_48 : i32 to index
      %swap3A_118 = arith.constant 48 : index
      %swap3A_119 = tpu.vector_load %arg12[%swap3A_117, %swap3A_118] {strides = array<i32>} : memref<128x128xf32, #tpu.memory_space<vmem>>, vector<16xf32>,
      tpu.vector_store %arg12[%swap3A_117, %swap3A_118], %scan3A_107#3 {strides = array<i32>} : memref<128x128xf32, #tpu.memory_space<vmem>>, vector<16xf32>,
      %swap3A_120 = arith.index_cast %mul3A_48 : i32 to index
      %swap3A_121 = arith.constant 64 : index
      %swap3A_122 = tpu.vector_load %arg12[%swap3A_120, %swap3A_121] {strides = array<i32>} : memref<128x128xf32, #tpu.memory_space<vmem>>, vector<16xf32>,
      tpu.vector_store %arg12[%swap3A_120, %swap3A_121], %scan3A_107#4 {strides = array<i32>} : memref<128x128xf32, #tpu.memory_space<vmem>>, vector<16xf32>,
      %swap3A_123 = arith.index_cast %mul3A_48 : i32 to index
      %swap3A_124 = arith.constant 80 : index
      %swap3A_125 = tpu.vector_load %arg12[%swap3A_123, %swap3A_124] {strides = array<i32>} : memref<128x128xf32, #tpu.memory_space<vmem>>, vector<16xf32>,
      tpu.vector_store %arg12[%swap3A_123, %swap3A_124], %scan3A_107#5 {strides = array<i32>} : memref<128x128xf32, #tpu.memory_space<vmem>>, vector<16xf32>,
      %swap3A_126 = arith.index_cast %mul3A_48 : i32 to index
      %swap3A_127 = arith.constant 96 : index
      %swap3A_128 = tpu.vector_load %arg12[%swap3A_126, %swap3A_127] {strides = array<i32>} : memref<128x128xf32, #tpu.memory_space<vmem>>, vector<16xf32>,
      tpu.vector_store %arg12[%swap3A_126, %swap3A_127], %scan3A_107#6 {strides = array<i32>} : memref<128x128xf32, #tpu.memory_space<vmem>>, vector<16xf32>,
      %swap3A_129 = arith.index_cast %mul3A_48 : i32 to index
      %swap3A_130 = arith.constant 112 : index
      %swap3A_131 = tpu.vector_load %arg12[%swap3A_129, %swap3A_130] {strides = array<i32>} : memref<128x128xf32, #tpu.memory_space<vmem>>, vector<16xf32>,
      tpu.vector_store %arg12[%swap3A_129, %swap3A_130], %scan3A_107#7 {strides = array<i32>} : memref<128x128xf32, #tpu.memory_space<vmem>>, vector<16xf32>,
      %lt3A = arith.constant 63 : i32
      %lt3A_132 = arith.cmpi slt, %scan3A_45, %lt3A : i32
      %convert_element_type3A = arith.extui %lt3A_132 : i1 to i32
      %cond3A = arith.constant 0 : i32
      %cond3A_133 = arith.cmpi ne, %convert_element_type3A, %cond3A : i32
      scf.if %cond3A_133 {
        %add3A_203 = arith.constant 2 : i32
        %add3A_204 = arith.addi %mul3A_48, %add3A_203 : i32
        %dma_start3A_205 = arith.constant 0 : i32
        %dma_start3A_206 = arith.constant 0 : i32
        %dma_start3A_207 = tpu.memref_slice %arg10[%dma_start3A_205, %dma_start3A_206] : memref<200x128xbf16, #tpu.memory_space<vmem>> -> memref<104x128xbf16, #tpu.memory_space<vmem>>
        %dma_start3A_208 = arith.constant 0 : i32
        %dma_start3A_209 = tpu.memref_slice %arg8[%add3A_204, %dma_start3A_208] : memref<128x200xi32, #tpu.memory_space<vmem>> -> memref<1x104xi32, #tpu.memory_space<vmem>>
        %dma_start3A_210 = tpu.memref_squeeze %dma_start3A_209 : memref<1x104xi32, #tpu.memory_space<vmem>> -> memref<104xi32, #tpu.memory_space<vmem>>
        %dma_start3A_211 = arith.constant 0 : i32
        %dma_start3A_212 = arith.constant 0 : i32
        %dma_start3A_213 = tpu.memref_slice %arg4[%dma_start3A_211, %dma_start3A_212] : memref<100000x128xbf16, #tpu.memory_space<hbm>> -> memref<100000x128xbf16, #tpu.memory_space<hbm>>
        tpu.enqueue_indirect_dma source(%dma_start3A_213 : memref<100000x128xbf16, #tpu.memory_space<hbm>>) target(%dma_start3A_207 : memref<104x128xbf16, #tpu.memory_space<vmem>>) offsets(%dma_start3A_210 : memref<104xi32, #tpu.memory_space<vmem>>) semaphore(%arg14 : memref<!tpu.dma_semaphore, #tpu.memory_space<semaphore_mem>>)
        %dma_start3A_214 = arith.constant 104 : i32
        %dma_start3A_215 = arith.constant 0 : i32
        %dma_start3A_216 = tpu.memref_slice %arg10[%dma_start3A_214, %dma_start3A_215] : memref<200x128xbf16, #tpu.memory_space<vmem>> -> memref<96x128xbf16, #tpu.memory_space<vmem>>
        %dma_start3A_217 = arith.constant 104 : i32
        %dma_start3A_218 = tpu.memref_slice %arg8[%add3A_204, %dma_start3A_217] : memref<128x200xi32, #tpu.memory_space<vmem>> -> memref<1x96xi32, #tpu.memory_space<vmem>>
        %dma_start3A_219 = tpu.memref_squeeze %dma_start3A_218 : memref<1x96xi32, #tpu.memory_space<vmem>> -> memref<96xi32, #tpu.memory_space<vmem>>
        %dma_start3A_220 = arith.constant 0 : i32
        %dma_start3A_221 = arith.constant 0 : i32
        %dma_start3A_222 = tpu.memref_slice %arg4[%dma_start3A_220, %dma_start3A_221] : memref<100000x128xbf16, #tpu.memory_space<hbm>> -> memref<100000x128xbf16, #tpu.memory_space<hbm>>
        tpu.enqueue_indirect_dma source(%dma_start3A_222 : memref<100000x128xbf16, #tpu.memory_space<hbm>>) target(%dma_start3A_216 : memref<96x128xbf16, #tpu.memory_space<vmem>>) offsets(%dma_start3A_219 : memref<96xi32, #tpu.memory_space<vmem>>) semaphore(%arg14 : memref<!tpu.dma_semaphore, #tpu.memory_space<semaphore_mem>>)
      } else {
      }
      %dma_wait3A_134 = arith.constant 0 : i32
      %dma_wait3A_135 = arith.constant 0 : i32
      %dma_wait3A_136 = arith.constant 0 : i32
      %dma_wait3A_137 = tpu.memref_slice %arg11[%dma_wait3A_135, %dma_wait3A_136] : memref<200x128xbf16, #tpu.memory_space<vmem>> -> memref<104x128xbf16, #tpu.memory_space<vmem>>
      %dma_wait3A_138 = arith.constant 0 : i32
      %dma_wait3A_139 = tpu.memref_slice %arg8[%dma_wait3A_134, %dma_wait3A_138] : memref<128x200xi32, #tpu.memory_space<vmem>> -> memref<1x104xi32, #tpu.memory_space<vmem>>
      %dma_wait3A_140 = tpu.memref_squeeze %dma_wait3A_139 : memref<1x104xi32, #tpu.memory_space<vmem>> -> memref<104xi32, #tpu.memory_space<vmem>>
      %dma_wait3A_141 = arith.constant 0 : i32
      %dma_wait3A_142 = arith.constant 0 : i32
      %dma_wait3A_143 = tpu.memref_slice %arg4[%dma_wait3A_141, %dma_wait3A_142] : memref<100000x128xbf16, #tpu.memory_space<hbm>> -> memref<100000x128xbf16, #tpu.memory_space<hbm>>
      tpu.wait_indirect_dma semaphore(%arg15 : memref<!tpu.dma_semaphore, #tpu.memory_space<semaphore_mem>>) src(%dma_wait3A_143 : memref<100000x128xbf16, #tpu.memory_space<hbm>>) dst(%dma_wait3A_137 : memref<104x128xbf16, #tpu.memory_space<vmem>>)
      %dma_wait3A_144 = arith.constant 0 : i32
      %dma_wait3A_145 = arith.constant 104 : i32
      %dma_wait3A_146 = arith.constant 0 : i32
      %dma_wait3A_147 = tpu.memref_slice %arg11[%dma_wait3A_145, %dma_wait3A_146] : memref<200x128xbf16, #tpu.memory_space<vmem>> -> memref<96x128xbf16, #tpu.memory_space<vmem>>
      %dma_wait3A_148 = arith.constant 104 : i32
      %dma_wait3A_149 = tpu.memref_slice %arg8[%dma_wait3A_144, %dma_wait3A_148] : memref<128x200xi32, #tpu.memory_space<vmem>> -> memref<1x96xi32, #tpu.memory_space<vmem>>
      %dma_wait3A_150 = tpu.memref_squeeze %dma_wait3A_149 : memref<1x96xi32, #tpu.memory_space<vmem>> -> memref<96xi32, #tpu.memory_space<vmem>>
      %dma_wait3A_151 = arith.constant 0 : i32
      %dma_wait3A_152 = arith.constant 0 : i32
      %dma_wait3A_153 = tpu.memref_slice %arg4[%dma_wait3A_151, %dma_wait3A_152] : memref<100000x128xbf16, #tpu.memory_space<hbm>> -> memref<100000x128xbf16, #tpu.memory_space<hbm>>
      tpu.wait_indirect_dma semaphore(%arg15 : memref<!tpu.dma_semaphore, #tpu.memory_space<semaphore_mem>>) src(%dma_wait3A_153 : memref<100000x128xbf16, #tpu.memory_space<hbm>>) dst(%dma_wait3A_147 : memref<96x128xbf16, #tpu.memory_space<vmem>>)
      %add3A_154 = arith.constant 1 : i32
      %add3A_155 = arith.addi %mul3A_48, %add3A_154 : i32
      %broadcast_in_dim3A_156 = arith.constant 0.000000e+00 : f32
      %broadcast_in_dim3A_157 = vector.broadcast %broadcast_in_dim3A_156 : f32 to vector<16xf32>
      %broadcast_in_dim3A_158 = arith.constant 0.000000e+00 : f32
      %broadcast_in_dim3A_159 = vector.broadcast %broadcast_in_dim3A_158 : f32 to vector<16xf32>
      %broadcast_in_dim3A_160 = arith.constant 0.000000e+00 : f32
      %broadcast_in_dim3A_161 = vector.broadcast %broadcast_in_dim3A_160 : f32 to vector<16xf32>
      %broadcast_in_dim3A_162 = arith.constant 0.000000e+00 : f32
      %broadcast_in_dim3A_163 = vector.broadcast %broadcast_in_dim3A_162 : f32 to vector<16xf32>
      %broadcast_in_dim3A_164 = arith.constant 0.000000e+00 : f32
      %broadcast_in_dim3A_165 = vector.broadcast %broadcast_in_dim3A_164 : f32 to vector<16xf32>
      %broadcast_in_dim3A_166 = arith.constant 0.000000e+00 : f32
      %broadcast_in_dim3A_167 = vector.broadcast %broadcast_in_dim3A_166 : f32 to vector<16xf32>
      %broadcast_in_dim3A_168 = arith.constant 0.000000e+00 : f32
      %broadcast_in_dim3A_169 = vector.broadcast %broadcast_in_dim3A_168 : f32 to vector<16xf32>
      %broadcast_in_dim3A_170 = arith.constant 0.000000e+00 : f32
      %broadcast_in_dim3A_171 = vector.broadcast %broadcast_in_dim3A_170 : f32 to vector<16xf32>
      %scan3A_172 = arith.constant 0 : i32
      %scan3A_173 = arith.constant 200 : i32
      %scan3A_174 = arith.addi %scan3A_172, %scan3A_173 : i32
      %scan3A_175 = arith.constant 1 : i32
      %scan3A_176:8 = scf.for %scan3A_203 = %scan3A_172 to %scan3A_174 step %scan3A_175 iter_args(%scan3A_204 = %broadcast_in_dim3A_157, %scan3A_205 = %broadcast_in_dim3A_159, %scan3A_206 = %broadcast_in_dim3A_161, %scan3A_207 = %broadcast_in_dim3A_163, %scan3A_208 = %broadcast_in_dim3A_165, %scan3A_209 = %broadcast_in_dim3A_167, %scan3A_210 = %broadcast_in_dim3A_169, %scan3A_211 = %broadcast_in_dim3A_171) -> (vector<16xf32>, vector<16xf32>, vector<16xf32>, vector<16xf32>, vector<16xf32>, vector<16xf32>, vector<16xf32>, vector<16xf32>)  : i32 {
        %get3A = arith.index_cast %scan3A_203 : i32 to index
        %get3A_212 = arith.constant 0 : index
        %get3A_213 = tpu.vector_load %arg11[%get3A, %get3A_212] {strides = array<i32>} : memref<200x128xbf16, #tpu.memory_space<vmem>>, vector<32xbf16>,
        %unpack3A = tpu.unpack_subelements %get3A_213, 0 {pack_format = #tpu.pack_format<interleaved>} : vector<32xbf16> -> vector<16xf32>
        %unpack3A_214 = tpu.unpack_subelements %get3A_213, 1 {pack_format = #tpu.pack_format<interleaved>} : vector<32xbf16> -> vector<16xf32>
        %add3A_215 = arith.addf %scan3A_204, %unpack3A : vector<16xf32>
        %add3A_216 = arith.addf %scan3A_205, %unpack3A_214 : vector<16xf32>
        %get3A_217 = arith.index_cast %scan3A_203 : i32 to index
        %get3A_218 = arith.constant 32 : index
        %get3A_219 = tpu.vector_load %arg11[%get3A_217, %get3A_218] {strides = array<i32>} : memref<200x128xbf16, #tpu.memory_space<vmem>>, vector<32xbf16>,
        %unpack3A_220 = tpu.unpack_subelements %get3A_219, 0 {pack_format = #tpu.pack_format<interleaved>} : vector<32xbf16> -> vector<16xf32>
        %unpack3A_221 = tpu.unpack_subelements %get3A_219, 1 {pack_format = #tpu.pack_format<interleaved>} : vector<32xbf16> -> vector<16xf32>
        %add3A_222 = arith.addf %scan3A_206, %unpack3A_220 : vector<16xf32>
        %add3A_223 = arith.addf %scan3A_207, %unpack3A_221 : vector<16xf32>
        %get3A_224 = arith.index_cast %scan3A_203 : i32 to index
        %get3A_225 = arith.constant 64 : index
        %get3A_226 = tpu.vector_load %arg11[%get3A_224, %get3A_225] {strides = array<i32>} : memref<200x128xbf16, #tpu.memory_space<vmem>>, vector<32xbf16>,
        %unpack3A_227 = tpu.unpack_subelements %get3A_226, 0 {pack_format = #tpu.pack_format<interleaved>} : vector<32xbf16> -> vector<16xf32>
        %unpack3A_228 = tpu.unpack_subelements %get3A_226, 1 {pack_format = #tpu.pack_format<interleaved>} : vector<32xbf16> -> vector<16xf32>
        %add3A_229 = arith.addf %scan3A_208, %unpack3A_227 : vector<16xf32>
        %add3A_230 = arith.addf %scan3A_209, %unpack3A_228 : vector<16xf32>
        %get3A_231 = arith.index_cast %scan3A_203 : i32 to index
        %get3A_232 = arith.constant 96 : index
        %get3A_233 = tpu.vector_load %arg11[%get3A_231, %get3A_232] {strides = array<i32>} : memref<200x128xbf16, #tpu.memory_space<vmem>>, vector<32xbf16>,
        %unpack3A_234 = tpu.unpack_subelements %get3A_233, 0 {pack_format = #tpu.pack_format<interleaved>} : vector<32xbf16> -> vector<16xf32>
        %unpack3A_235 = tpu.unpack_subelements %get3A_233, 1 {pack_format = #tpu.pack_format<interleaved>} : vector<32xbf16> -> vector<16xf32>
        %add3A_236 = arith.addf %scan3A_210, %unpack3A_234 : vector<16xf32>
        %add3A_237 = arith.addf %scan3A_211, %unpack3A_235 : vector<16xf32>
        scf.yield %add3A_215, %add3A_216, %add3A_222, %add3A_223, %add3A_229, %add3A_230, %add3A_236, %add3A_237 : vector<16xf32>, vector<16xf32>, vector<16xf32>, vector<16xf32>, vector<16xf32>, vector<16xf32>, vector<16xf32>, vector<16xf32>
      }
      %scan3A_177 = arith.constant 200 : i32
      %swap3A_178 = arith.index_cast %add3A_155 : i32 to index
      %swap3A_179 = arith.constant 0 : index
      %swap3A_180 = tpu.vector_load %arg12[%swap3A_178, %swap3A_179] {strides = array<i32>} : memref<128x128xf32, #tpu.memory_space<vmem>>, vector<16xf32>,
      tpu.vector_store %arg12[%swap3A_178, %swap3A_179], %scan3A_176#0 {strides = array<i32>} : memref<128x128xf32, #tpu.memory_space<vmem>>, vector<16xf32>,
      %swap3A_181 = arith.index_cast %add3A_155 : i32 to index
      %swap3A_182 = arith.constant 16 : index
      %swap3A_183 = tpu.vector_load %arg12[%swap3A_181, %swap3A_182] {strides = array<i32>} : memref<128x128xf32, #tpu.memory_space<vmem>>, vector<16xf32>,
      tpu.vector_store %arg12[%swap3A_181, %swap3A_182], %scan3A_176#1 {strides = array<i32>} : memref<128x128xf32, #tpu.memory_space<vmem>>, vector<16xf32>,
      %swap3A_184 = arith.index_cast %add3A_155 : i32 to index
      %swap3A_185 = arith.constant 32 : index
      %swap3A_186 = tpu.vector_load %arg12[%swap3A_184, %swap3A_185] {strides = array<i32>} : memref<128x128xf32, #tpu.memory_space<vmem>>, vector<16xf32>,
      tpu.vector_store %arg12[%swap3A_184, %swap3A_185], %scan3A_176#2 {strides = array<i32>} : memref<128x128xf32, #tpu.memory_space<vmem>>, vector<16xf32>,
      %swap3A_187 = arith.index_cast %add3A_155 : i32 to index
      %swap3A_188 = arith.constant 48 : index
      %swap3A_189 = tpu.vector_load %arg12[%swap3A_187, %swap3A_188] {strides = array<i32>} : memref<128x128xf32, #tpu.memory_space<vmem>>, vector<16xf32>,
      tpu.vector_store %arg12[%swap3A_187, %swap3A_188], %scan3A_176#3 {strides = array<i32>} : memref<128x128xf32, #tpu.memory_space<vmem>>, vector<16xf32>,
      %swap3A_190 = arith.index_cast %add3A_155 : i32 to index
      %swap3A_191 = arith.constant 64 : index
      %swap3A_192 = tpu.vector_load %arg12[%swap3A_190, %swap3A_191] {strides = array<i32>} : memref<128x128xf32, #tpu.memory_space<vmem>>, vector<16xf32>,
      tpu.vector_store %arg12[%swap3A_190, %swap3A_191], %scan3A_176#4 {strides = array<i32>} : memref<128x128xf32, #tpu.memory_space<vmem>>, vector<16xf32>,
      %swap3A_193 = arith.index_cast %add3A_155 : i32 to index
      %swap3A_194 = arith.constant 80 : index
      %swap3A_195 = tpu.vector_load %arg12[%swap3A_193, %swap3A_194] {strides = array<i32>} : memref<128x128xf32, #tpu.memory_space<vmem>>, vector<16xf32>,
      tpu.vector_store %arg12[%swap3A_193, %swap3A_194], %scan3A_176#5 {strides = array<i32>} : memref<128x128xf32, #tpu.memory_space<vmem>>, vector<16xf32>,
      %swap3A_196 = arith.index_cast %add3A_155 : i32 to index
      %swap3A_197 = arith.constant 96 : index
      %swap3A_198 = tpu.vector_load %arg12[%swap3A_196, %swap3A_197] {strides = array<i32>} : memref<128x128xf32, #tpu.memory_space<vmem>>, vector<16xf32>,
      tpu.vector_store %arg12[%swap3A_196, %swap3A_197], %scan3A_176#6 {strides = array<i32>} : memref<128x128xf32, #tpu.memory_space<vmem>>, vector<16xf32>,
      %swap3A_199 = arith.index_cast %add3A_155 : i32 to index
      %swap3A_200 = arith.constant 112 : index
      %swap3A_201 = tpu.vector_load %arg12[%swap3A_199, %swap3A_200] {strides = array<i32>} : memref<128x128xf32, #tpu.memory_space<vmem>>, vector<16xf32>,
      tpu.vector_store %arg12[%swap3A_199, %swap3A_200], %scan3A_176#7 {strides = array<i32>} : memref<128x128xf32, #tpu.memory_space<vmem>>, vector<16xf32>,
      %scan3A_202 = arith.constant 0 : i32
      scf.yield %scan3A_202 : i32
    }
    %scan3A_27 = arith.constant 64 : i32
    %dma_start3A_28 = arith.constant 0 : i32
    %dma_start3A_29 = arith.constant 0 : i32
    %dma_start3A_30 = arith.constant 0 : i32
    %dma_start3A_31 = tpu.memref_slice %arg10[%dma_start3A_29, %dma_start3A_30] : memref<200x128xbf16, #tpu.memory_space<vmem>> -> memref<20x128xbf16, #tpu.memory_space<vmem>>
    %dma_start3A_32 = arith.constant 0 : i32
    %dma_start3A_33 = tpu.memref_slice %arg9[%dma_start3A_28, %dma_start3A_32] : memref<128x20xi32, #tpu.memory_space<vmem>> -> memref<1x20xi32, #tpu.memory_space<vmem>>
    %dma_start3A_34 = tpu.memref_squeeze %dma_start3A_33 : memref<1x20xi32, #tpu.memory_space<vmem>> -> memref<20xi32, #tpu.memory_space<vmem>>
    %dma_start3A_35 = arith.constant 0 : i32
    %dma_start3A_36 = arith.constant 0 : i32
    %dma_start3A_37 = tpu.memref_slice %arg5[%dma_start3A_35, %dma_start3A_36] : memref<100000x128xbf16, #tpu.memory_space<hbm>> -> memref<100000x128xbf16, #tpu.memory_space<hbm>>
    tpu.enqueue_indirect_dma source(%dma_start3A_37 : memref<100000x128xbf16, #tpu.memory_space<hbm>>) target(%dma_start3A_31 : memref<20x128xbf16, #tpu.memory_space<vmem>>) offsets(%dma_start3A_34 : memref<20xi32, #tpu.memory_space<vmem>>) semaphore(%arg14 : memref<!tpu.dma_semaphore, #tpu.memory_space<semaphore_mem>>)
    %scan3A_38 = arith.constant 0 : i32
    %scan3A_39 = arith.constant 0 : i32
    %scan3A_40 = arith.constant 64 : i32
    %scan3A_41 = arith.addi %scan3A_39, %scan3A_40 : i32
    %scan3A_42 = arith.constant 1 : i32
    %scan3A_43 = scf.for %scan3A_45 = %scan3A_39 to %scan3A_41 step %scan3A_42 iter_args(%scan3A_46 = %scan3A_38) -> (i32)  : i32 {
      %mul3A_47 = arith.constant 2 : i32
      %mul3A_48 = arith.muli %mul3A_47, %scan3A_45 : i32
      %add3A_49 = arith.constant 1 : i32
      %add3A_50 = arith.addi %mul3A_48, %add3A_49 : i32
      %dma_start3A_51 = arith.constant 0 : i32
      %dma_start3A_52 = arith.constant 0 : i32
      %dma_start3A_53 = tpu.memref_slice %arg11[%dma_start3A_51, %dma_start3A_52] : memref<200x128xbf16, #tpu.memory_space<vmem>> -> memref<20x128xbf16, #tpu.memory_space<vmem>>
      %dma_start3A_54 = arith.constant 0 : i32
      %dma_start3A_55 = tpu.memref_slice %arg9[%add3A_50, %dma_start3A_54] : memref<128x20xi32, #tpu.memory_space<vmem>> -> memref<1x20xi32, #tpu.memory_space<vmem>>
      %dma_start3A_56 = tpu.memref_squeeze %dma_start3A_55 : memref<1x20xi32, #tpu.memory_space<vmem>> -> memref<20xi32, #tpu.memory_space<vmem>>
      %dma_start3A_57 = arith.constant 0 : i32
      %dma_start3A_58 = arith.constant 0 : i32
      %dma_start3A_59 = tpu.memref_slice %arg5[%dma_start3A_57, %dma_start3A_58] : memref<100000x128xbf16, #tpu.memory_space<hbm>> -> memref<100000x128xbf16, #tpu.memory_space<hbm>>
      tpu.enqueue_indirect_dma source(%dma_start3A_59 : memref<100000x128xbf16, #tpu.memory_space<hbm>>) target(%dma_start3A_53 : memref<20x128xbf16, #tpu.memory_space<vmem>>) offsets(%dma_start3A_56 : memref<20xi32, #tpu.memory_space<vmem>>) semaphore(%arg15 : memref<!tpu.dma_semaphore, #tpu.memory_space<semaphore_mem>>)
      %dma_wait3A = arith.constant 0 : i32
      %dma_wait3A_60 = arith.constant 0 : i32
      %dma_wait3A_61 = arith.constant 0 : i32
      %dma_wait3A_62 = tpu.memref_slice %arg10[%dma_wait3A_60, %dma_wait3A_61] : memref<200x128xbf16, #tpu.memory_space<vmem>> -> memref<20x128xbf16, #tpu.memory_space<vmem>>
      %dma_wait3A_63 = arith.constant 0 : i32
      %dma_wait3A_64 = tpu.memref_slice %arg9[%dma_wait3A, %dma_wait3A_63] : memref<128x20xi32, #tpu.memory_space<vmem>> -> memref<1x20xi32, #tpu.memory_space<vmem>>
      %dma_wait3A_65 = tpu.memref_squeeze %dma_wait3A_64 : memref<1x20xi32, #tpu.memory_space<vmem>> -> memref<20xi32, #tpu.memory_space<vmem>>
      %dma_wait3A_66 = arith.constant 0 : i32
      %dma_wait3A_67 = arith.constant 0 : i32
      %dma_wait3A_68 = tpu.memref_slice %arg5[%dma_wait3A_66, %dma_wait3A_67] : memref<100000x128xbf16, #tpu.memory_space<hbm>> -> memref<100000x128xbf16, #tpu.memory_space<hbm>>
      tpu.wait_indirect_dma semaphore(%arg14 : memref<!tpu.dma_semaphore, #tpu.memory_space<semaphore_mem>>) src(%dma_wait3A_68 : memref<100000x128xbf16, #tpu.memory_space<hbm>>) dst(%dma_wait3A_62 : memref<20x128xbf16, #tpu.memory_space<vmem>>)
      %broadcast_in_dim3A = arith.constant 0.000000e+00 : f32
      %broadcast_in_dim3A_69 = vector.broadcast %broadcast_in_dim3A : f32 to vector<16xf32>
      %broadcast_in_dim3A_70 = arith.constant 0.000000e+00 : f32
      %broadcast_in_dim3A_71 = vector.broadcast %broadcast_in_dim3A_70 : f32 to vector<16xf32>
      %broadcast_in_dim3A_72 = arith.constant 0.000000e+00 : f32
      %broadcast_in_dim3A_73 = vector.broadcast %broadcast_in_dim3A_72 : f32 to vector<16xf32>
      %broadcast_in_dim3A_74 = arith.constant 0.000000e+00 : f32
      %broadcast_in_dim3A_75 = vector.broadcast %broadcast_in_dim3A_74 : f32 to vector<16xf32>
      %broadcast_in_dim3A_76 = arith.constant 0.000000e+00 : f32
      %broadcast_in_dim3A_77 = vector.broadcast %broadcast_in_dim3A_76 : f32 to vector<16xf32>
      %broadcast_in_dim3A_78 = arith.constant 0.000000e+00 : f32
      %broadcast_in_dim3A_79 = vector.broadcast %broadcast_in_dim3A_78 : f32 to vector<16xf32>
      %broadcast_in_dim3A_80 = arith.constant 0.000000e+00 : f32
      %broadcast_in_dim3A_81 = vector.broadcast %broadcast_in_dim3A_80 : f32 to vector<16xf32>
      %broadcast_in_dim3A_82 = arith.constant 0.000000e+00 : f32
      %broadcast_in_dim3A_83 = vector.broadcast %broadcast_in_dim3A_82 : f32 to vector<16xf32>
      %scan3A_84 = arith.constant 0 : i32
      %scan3A_85 = arith.constant 20 : i32
      %scan3A_86 = arith.addi %scan3A_84, %scan3A_85 : i32
      %scan3A_87 = arith.constant 1 : i32
      %scan3A_88:8 = scf.for %scan3A_174 = %scan3A_84 to %scan3A_86 step %scan3A_87 iter_args(%scan3A_175 = %broadcast_in_dim3A_69, %scan3A_176 = %broadcast_in_dim3A_71, %scan3A_177 = %broadcast_in_dim3A_73, %scan3A_178 = %broadcast_in_dim3A_75, %scan3A_179 = %broadcast_in_dim3A_77, %scan3A_180 = %broadcast_in_dim3A_79, %scan3A_181 = %broadcast_in_dim3A_81, %scan3A_182 = %broadcast_in_dim3A_83) -> (vector<16xf32>, vector<16xf32>, vector<16xf32>, vector<16xf32>, vector<16xf32>, vector<16xf32>, vector<16xf32>, vector<16xf32>)  : i32 {
        %get3A = arith.index_cast %scan3A_174 : i32 to index
        %get3A_183 = arith.constant 0 : index
        %get3A_184 = tpu.vector_load %arg10[%get3A, %get3A_183] {strides = array<i32>} : memref<200x128xbf16, #tpu.memory_space<vmem>>, vector<32xbf16>,
        %unpack3A = tpu.unpack_subelements %get3A_184, 0 {pack_format = #tpu.pack_format<interleaved>} : vector<32xbf16> -> vector<16xf32>
        %unpack3A_185 = tpu.unpack_subelements %get3A_184, 1 {pack_format = #tpu.pack_format<interleaved>} : vector<32xbf16> -> vector<16xf32>
        %add3A_186 = arith.addf %scan3A_175, %unpack3A : vector<16xf32>
        %add3A_187 = arith.addf %scan3A_176, %unpack3A_185 : vector<16xf32>
        %get3A_188 = arith.index_cast %scan3A_174 : i32 to index
        %get3A_189 = arith.constant 32 : index
        %get3A_190 = tpu.vector_load %arg10[%get3A_188, %get3A_189] {strides = array<i32>} : memref<200x128xbf16, #tpu.memory_space<vmem>>, vector<32xbf16>,
        %unpack3A_191 = tpu.unpack_subelements %get3A_190, 0 {pack_format = #tpu.pack_format<interleaved>} : vector<32xbf16> -> vector<16xf32>
        %unpack3A_192 = tpu.unpack_subelements %get3A_190, 1 {pack_format = #tpu.pack_format<interleaved>} : vector<32xbf16> -> vector<16xf32>
        %add3A_193 = arith.addf %scan3A_177, %unpack3A_191 : vector<16xf32>
        %add3A_194 = arith.addf %scan3A_178, %unpack3A_192 : vector<16xf32>
        %get3A_195 = arith.index_cast %scan3A_174 : i32 to index
        %get3A_196 = arith.constant 64 : index
        %get3A_197 = tpu.vector_load %arg10[%get3A_195, %get3A_196] {strides = array<i32>} : memref<200x128xbf16, #tpu.memory_space<vmem>>, vector<32xbf16>,
        %unpack3A_198 = tpu.unpack_subelements %get3A_197, 0 {pack_format = #tpu.pack_format<interleaved>} : vector<32xbf16> -> vector<16xf32>
        %unpack3A_199 = tpu.unpack_subelements %get3A_197, 1 {pack_format = #tpu.pack_format<interleaved>} : vector<32xbf16> -> vector<16xf32>
        %add3A_200 = arith.addf %scan3A_179, %unpack3A_198 : vector<16xf32>
        %add3A_201 = arith.addf %scan3A_180, %unpack3A_199 : vector<16xf32>
        %get3A_202 = arith.index_cast %scan3A_174 : i32 to index
        %get3A_203 = arith.constant 96 : index
        %get3A_204 = tpu.vector_load %arg10[%get3A_202, %get3A_203] {strides = array<i32>} : memref<200x128xbf16, #tpu.memory_space<vmem>>, vector<32xbf16>,
        %unpack3A_205 = tpu.unpack_subelements %get3A_204, 0 {pack_format = #tpu.pack_format<interleaved>} : vector<32xbf16> -> vector<16xf32>
        %unpack3A_206 = tpu.unpack_subelements %get3A_204, 1 {pack_format = #tpu.pack_format<interleaved>} : vector<32xbf16> -> vector<16xf32>
        %add3A_207 = arith.addf %scan3A_181, %unpack3A_205 : vector<16xf32>
        %add3A_208 = arith.addf %scan3A_182, %unpack3A_206 : vector<16xf32>
        scf.yield %add3A_186, %add3A_187, %add3A_193, %add3A_194, %add3A_200, %add3A_201, %add3A_207, %add3A_208 : vector<16xf32>, vector<16xf32>, vector<16xf32>, vector<16xf32>, vector<16xf32>, vector<16xf32>, vector<16xf32>, vector<16xf32>
      }
      %scan3A_89 = arith.constant 20 : i32
      %swap3A = arith.index_cast %mul3A_48 : i32 to index
      %swap3A_90 = arith.constant 0 : index
      %swap3A_91 = tpu.vector_load %arg13[%swap3A, %swap3A_90] {strides = array<i32>} : memref<128x128xf32, #tpu.memory_space<vmem>>, vector<16xf32>,
      tpu.vector_store %arg13[%swap3A, %swap3A_90], %scan3A_88#0 {strides = array<i32>} : memref<128x128xf32, #tpu.memory_space<vmem>>, vector<16xf32>,
      %swap3A_92 = arith.index_cast %mul3A_48 : i32 to index
      %swap3A_93 = arith.constant 16 : index
      %swap3A_94 = tpu.vector_load %arg13[%swap3A_92, %swap3A_93] {strides = array<i32>} : memref<128x128xf32, #tpu.memory_space<vmem>>, vector<16xf32>,
      tpu.vector_store %arg13[%swap3A_92, %swap3A_93], %scan3A_88#1 {strides = array<i32>} : memref<128x128xf32, #tpu.memory_space<vmem>>, vector<16xf32>,
      %swap3A_95 = arith.index_cast %mul3A_48 : i32 to index
      %swap3A_96 = arith.constant 32 : index
      %swap3A_97 = tpu.vector_load %arg13[%swap3A_95, %swap3A_96] {strides = array<i32>} : memref<128x128xf32, #tpu.memory_space<vmem>>, vector<16xf32>,
      tpu.vector_store %arg13[%swap3A_95, %swap3A_96], %scan3A_88#2 {strides = array<i32>} : memref<128x128xf32, #tpu.memory_space<vmem>>, vector<16xf32>,
      %swap3A_98 = arith.index_cast %mul3A_48 : i32 to index
      %swap3A_99 = arith.constant 48 : index
      %swap3A_100 = tpu.vector_load %arg13[%swap3A_98, %swap3A_99] {strides = array<i32>} : memref<128x128xf32, #tpu.memory_space<vmem>>, vector<16xf32>,
      tpu.vector_store %arg13[%swap3A_98, %swap3A_99], %scan3A_88#3 {strides = array<i32>} : memref<128x128xf32, #tpu.memory_space<vmem>>, vector<16xf32>,
      %swap3A_101 = arith.index_cast %mul3A_48 : i32 to index
      %swap3A_102 = arith.constant 64 : index
      %swap3A_103 = tpu.vector_load %arg13[%swap3A_101, %swap3A_102] {strides = array<i32>} : memref<128x128xf32, #tpu.memory_space<vmem>>, vector<16xf32>,
      tpu.vector_store %arg13[%swap3A_101, %swap3A_102], %scan3A_88#4 {strides = array<i32>} : memref<128x128xf32, #tpu.memory_space<vmem>>, vector<16xf32>,
      %swap3A_104 = arith.index_cast %mul3A_48 : i32 to index
      %swap3A_105 = arith.constant 80 : index
      %swap3A_106 = tpu.vector_load %arg13[%swap3A_104, %swap3A_105] {strides = array<i32>} : memref<128x128xf32, #tpu.memory_space<vmem>>, vector<16xf32>,
      tpu.vector_store %arg13[%swap3A_104, %swap3A_105], %scan3A_88#5 {strides = array<i32>} : memref<128x128xf32, #tpu.memory_space<vmem>>, vector<16xf32>,
      %swap3A_107 = arith.index_cast %mul3A_48 : i32 to index
      %swap3A_108 = arith.constant 96 : index
      %swap3A_109 = tpu.vector_load %arg13[%swap3A_107, %swap3A_108] {strides = array<i32>} : memref<128x128xf32, #tpu.memory_space<vmem>>, vector<16xf32>,
      tpu.vector_store %arg13[%swap3A_107, %swap3A_108], %scan3A_88#6 {strides = array<i32>} : memref<128x128xf32, #tpu.memory_space<vmem>>, vector<16xf32>,
      %swap3A_110 = arith.index_cast %mul3A_48 : i32 to index
      %swap3A_111 = arith.constant 112 : index
      %swap3A_112 = tpu.vector_load %arg13[%swap3A_110, %swap3A_111] {strides = array<i32>} : memref<128x128xf32, #tpu.memory_space<vmem>>, vector<16xf32>,
      tpu.vector_store %arg13[%swap3A_110, %swap3A_111], %scan3A_88#7 {strides = array<i32>} : memref<128x128xf32, #tpu.memory_space<vmem>>, vector<16xf32>,
      %lt3A = arith.constant 63 : i32
      %lt3A_113 = arith.cmpi slt, %scan3A_45, %lt3A : i32
      %convert_element_type3A = arith.extui %lt3A_113 : i1 to i32
      %cond3A = arith.constant 0 : i32
      %cond3A_114 = arith.cmpi ne, %convert_element_type3A, %cond3A : i32
      scf.if %cond3A_114 {
        %add3A_174 = arith.constant 2 : i32
        %add3A_175 = arith.addi %mul3A_48, %add3A_174 : i32
        %dma_start3A_176 = arith.constant 0 : i32
        %dma_start3A_177 = arith.constant 0 : i32
        %dma_start3A_178 = tpu.memref_slice %arg10[%dma_start3A_176, %dma_start3A_177] : memref<200x128xbf16, #tpu.memory_space<vmem>> -> memref<20x128xbf16, #tpu.memory_space<vmem>>
        %dma_start3A_179 = arith.constant 0 : i32
        %dma_start3A_180 = tpu.memref_slice %arg9[%add3A_175, %dma_start3A_179] : memref<128x20xi32, #tpu.memory_space<vmem>> -> memref<1x20xi32, #tpu.memory_space<vmem>>
        %dma_start3A_181 = tpu.memref_squeeze %dma_start3A_180 : memref<1x20xi32, #tpu.memory_space<vmem>> -> memref<20xi32, #tpu.memory_space<vmem>>
        %dma_start3A_182 = arith.constant 0 : i32
        %dma_start3A_183 = arith.constant 0 : i32
        %dma_start3A_184 = tpu.memref_slice %arg5[%dma_start3A_182, %dma_start3A_183] : memref<100000x128xbf16, #tpu.memory_space<hbm>> -> memref<100000x128xbf16, #tpu.memory_space<hbm>>
        tpu.enqueue_indirect_dma source(%dma_start3A_184 : memref<100000x128xbf16, #tpu.memory_space<hbm>>) target(%dma_start3A_178 : memref<20x128xbf16, #tpu.memory_space<vmem>>) offsets(%dma_start3A_181 : memref<20xi32, #tpu.memory_space<vmem>>) semaphore(%arg14 : memref<!tpu.dma_semaphore, #tpu.memory_space<semaphore_mem>>)
      } else {
      }
      %dma_wait3A_115 = arith.constant 0 : i32
      %dma_wait3A_116 = arith.constant 0 : i32
      %dma_wait3A_117 = arith.constant 0 : i32
      %dma_wait3A_118 = tpu.memref_slice %arg11[%dma_wait3A_116, %dma_wait3A_117] : memref<200x128xbf16, #tpu.memory_space<vmem>> -> memref<20x128xbf16, #tpu.memory_space<vmem>>
      %dma_wait3A_119 = arith.constant 0 : i32
      %dma_wait3A_120 = tpu.memref_slice %arg9[%dma_wait3A_115, %dma_wait3A_119] : memref<128x20xi32, #tpu.memory_space<vmem>> -> memref<1x20xi32, #tpu.memory_space<vmem>>
      %dma_wait3A_121 = tpu.memref_squeeze %dma_wait3A_120 : memref<1x20xi32, #tpu.memory_space<vmem>> -> memref<20xi32, #tpu.memory_space<vmem>>
      %dma_wait3A_122 = arith.constant 0 : i32
      %dma_wait3A_123 = arith.constant 0 : i32
      %dma_wait3A_124 = tpu.memref_slice %arg5[%dma_wait3A_122, %dma_wait3A_123] : memref<100000x128xbf16, #tpu.memory_space<hbm>> -> memref<100000x128xbf16, #tpu.memory_space<hbm>>
      tpu.wait_indirect_dma semaphore(%arg15 : memref<!tpu.dma_semaphore, #tpu.memory_space<semaphore_mem>>) src(%dma_wait3A_124 : memref<100000x128xbf16, #tpu.memory_space<hbm>>) dst(%dma_wait3A_118 : memref<20x128xbf16, #tpu.memory_space<vmem>>)
      %add3A_125 = arith.constant 1 : i32
      %add3A_126 = arith.addi %mul3A_48, %add3A_125 : i32
      %broadcast_in_dim3A_127 = arith.constant 0.000000e+00 : f32
      %broadcast_in_dim3A_128 = vector.broadcast %broadcast_in_dim3A_127 : f32 to vector<16xf32>
      %broadcast_in_dim3A_129 = arith.constant 0.000000e+00 : f32
      %broadcast_in_dim3A_130 = vector.broadcast %broadcast_in_dim3A_129 : f32 to vector<16xf32>
      %broadcast_in_dim3A_131 = arith.constant 0.000000e+00 : f32
      %broadcast_in_dim3A_132 = vector.broadcast %broadcast_in_dim3A_131 : f32 to vector<16xf32>
      %broadcast_in_dim3A_133 = arith.constant 0.000000e+00 : f32
      %broadcast_in_dim3A_134 = vector.broadcast %broadcast_in_dim3A_133 : f32 to vector<16xf32>
      %broadcast_in_dim3A_135 = arith.constant 0.000000e+00 : f32
      %broadcast_in_dim3A_136 = vector.broadcast %broadcast_in_dim3A_135 : f32 to vector<16xf32>
      %broadcast_in_dim3A_137 = arith.constant 0.000000e+00 : f32
      %broadcast_in_dim3A_138 = vector.broadcast %broadcast_in_dim3A_137 : f32 to vector<16xf32>
      %broadcast_in_dim3A_139 = arith.constant 0.000000e+00 : f32
      %broadcast_in_dim3A_140 = vector.broadcast %broadcast_in_dim3A_139 : f32 to vector<16xf32>
      %broadcast_in_dim3A_141 = arith.constant 0.000000e+00 : f32
      %broadcast_in_dim3A_142 = vector.broadcast %broadcast_in_dim3A_141 : f32 to vector<16xf32>
      %scan3A_143 = arith.constant 0 : i32
      %scan3A_144 = arith.constant 20 : i32
      %scan3A_145 = arith.addi %scan3A_143, %scan3A_144 : i32
      %scan3A_146 = arith.constant 1 : i32
      %scan3A_147:8 = scf.for %scan3A_174 = %scan3A_143 to %scan3A_145 step %scan3A_146 iter_args(%scan3A_175 = %broadcast_in_dim3A_128, %scan3A_176 = %broadcast_in_dim3A_130, %scan3A_177 = %broadcast_in_dim3A_132, %scan3A_178 = %broadcast_in_dim3A_134, %scan3A_179 = %broadcast_in_dim3A_136, %scan3A_180 = %broadcast_in_dim3A_138, %scan3A_181 = %broadcast_in_dim3A_140, %scan3A_182 = %broadcast_in_dim3A_142) -> (vector<16xf32>, vector<16xf32>, vector<16xf32>, vector<16xf32>, vector<16xf32>, vector<16xf32>, vector<16xf32>, vector<16xf32>)  : i32 {
        %get3A = arith.index_cast %scan3A_174 : i32 to index
        %get3A_183 = arith.constant 0 : index
        %get3A_184 = tpu.vector_load %arg11[%get3A, %get3A_183] {strides = array<i32>} : memref<200x128xbf16, #tpu.memory_space<vmem>>, vector<32xbf16>,
        %unpack3A = tpu.unpack_subelements %get3A_184, 0 {pack_format = #tpu.pack_format<interleaved>} : vector<32xbf16> -> vector<16xf32>
        %unpack3A_185 = tpu.unpack_subelements %get3A_184, 1 {pack_format = #tpu.pack_format<interleaved>} : vector<32xbf16> -> vector<16xf32>
        %add3A_186 = arith.addf %scan3A_175, %unpack3A : vector<16xf32>
        %add3A_187 = arith.addf %scan3A_176, %unpack3A_185 : vector<16xf32>
        %get3A_188 = arith.index_cast %scan3A_174 : i32 to index
        %get3A_189 = arith.constant 32 : index
        %get3A_190 = tpu.vector_load %arg11[%get3A_188, %get3A_189] {strides = array<i32>} : memref<200x128xbf16, #tpu.memory_space<vmem>>, vector<32xbf16>,
        %unpack3A_191 = tpu.unpack_subelements %get3A_190, 0 {pack_format = #tpu.pack_format<interleaved>} : vector<32xbf16> -> vector<16xf32>
        %unpack3A_192 = tpu.unpack_subelements %get3A_190, 1 {pack_format = #tpu.pack_format<interleaved>} : vector<32xbf16> -> vector<16xf32>
        %add3A_193 = arith.addf %scan3A_177, %unpack3A_191 : vector<16xf32>
        %add3A_194 = arith.addf %scan3A_178, %unpack3A_192 : vector<16xf32>
        %get3A_195 = arith.index_cast %scan3A_174 : i32 to index
        %get3A_196 = arith.constant 64 : index
        %get3A_197 = tpu.vector_load %arg11[%get3A_195, %get3A_196] {strides = array<i32>} : memref<200x128xbf16, #tpu.memory_space<vmem>>, vector<32xbf16>,
        %unpack3A_198 = tpu.unpack_subelements %get3A_197, 0 {pack_format = #tpu.pack_format<interleaved>} : vector<32xbf16> -> vector<16xf32>
        %unpack3A_199 = tpu.unpack_subelements %get3A_197, 1 {pack_format = #tpu.pack_format<interleaved>} : vector<32xbf16> -> vector<16xf32>
        %add3A_200 = arith.addf %scan3A_179, %unpack3A_198 : vector<16xf32>
        %add3A_201 = arith.addf %scan3A_180, %unpack3A_199 : vector<16xf32>
        %get3A_202 = arith.index_cast %scan3A_174 : i32 to index
        %get3A_203 = arith.constant 96 : index
        %get3A_204 = tpu.vector_load %arg11[%get3A_202, %get3A_203] {strides = array<i32>} : memref<200x128xbf16, #tpu.memory_space<vmem>>, vector<32xbf16>,
        %unpack3A_205 = tpu.unpack_subelements %get3A_204, 0 {pack_format = #tpu.pack_format<interleaved>} : vector<32xbf16> -> vector<16xf32>
        %unpack3A_206 = tpu.unpack_subelements %get3A_204, 1 {pack_format = #tpu.pack_format<interleaved>} : vector<32xbf16> -> vector<16xf32>
        %add3A_207 = arith.addf %scan3A_181, %unpack3A_205 : vector<16xf32>
        %add3A_208 = arith.addf %scan3A_182, %unpack3A_206 : vector<16xf32>
        scf.yield %add3A_186, %add3A_187, %add3A_193, %add3A_194, %add3A_200, %add3A_201, %add3A_207, %add3A_208 : vector<16xf32>, vector<16xf32>, vector<16xf32>, vector<16xf32>, vector<16xf32>, vector<16xf32>, vector<16xf32>, vector<16xf32>
      }
      %scan3A_148 = arith.constant 20 : i32
      %swap3A_149 = arith.index_cast %add3A_126 : i32 to index
      %swap3A_150 = arith.constant 0 : index
      %swap3A_151 = tpu.vector_load %arg13[%swap3A_149, %swap3A_150] {strides = array<i32>} : memref<128x128xf32, #tpu.memory_space<vmem>>, vector<16xf32>,
      tpu.vector_store %arg13[%swap3A_149, %swap3A_150], %scan3A_147#0 {strides = array<i32>} : memref<128x128xf32, #tpu.memory_space<vmem>>, vector<16xf32>,
      %swap3A_152 = arith.index_cast %add3A_126 : i32 to index
      %swap3A_153 = arith.constant 16 : index
      %swap3A_154 = tpu.vector_load %arg13[%swap3A_152, %swap3A_153] {strides = array<i32>} : memref<128x128xf32, #tpu.memory_space<vmem>>, vector<16xf32>,
      tpu.vector_store %arg13[%swap3A_152, %swap3A_153], %scan3A_147#1 {strides = array<i32>} : memref<128x128xf32, #tpu.memory_space<vmem>>, vector<16xf32>,
      %swap3A_155 = arith.index_cast %add3A_126 : i32 to index
      %swap3A_156 = arith.constant 32 : index
      %swap3A_157 = tpu.vector_load %arg13[%swap3A_155, %swap3A_156] {strides = array<i32>} : memref<128x128xf32, #tpu.memory_space<vmem>>, vector<16xf32>,
      tpu.vector_store %arg13[%swap3A_155, %swap3A_156], %scan3A_147#2 {strides = array<i32>} : memref<128x128xf32, #tpu.memory_space<vmem>>, vector<16xf32>,
      %swap3A_158 = arith.index_cast %add3A_126 : i32 to index
      %swap3A_159 = arith.constant 48 : index
      %swap3A_160 = tpu.vector_load %arg13[%swap3A_158, %swap3A_159] {strides = array<i32>} : memref<128x128xf32, #tpu.memory_space<vmem>>, vector<16xf32>,
      tpu.vector_store %arg13[%swap3A_158, %swap3A_159], %scan3A_147#3 {strides = array<i32>} : memref<128x128xf32, #tpu.memory_space<vmem>>, vector<16xf32>,
      %swap3A_161 = arith.index_cast %add3A_126 : i32 to index
      %swap3A_162 = arith.constant 64 : index
      %swap3A_163 = tpu.vector_load %arg13[%swap3A_161, %swap3A_162] {strides = array<i32>} : memref<128x128xf32, #tpu.memory_space<vmem>>, vector<16xf32>,
      tpu.vector_store %arg13[%swap3A_161, %swap3A_162], %scan3A_147#4 {strides = array<i32>} : memref<128x128xf32, #tpu.memory_space<vmem>>, vector<16xf32>,
      %swap3A_164 = arith.index_cast %add3A_126 : i32 to index
      %swap3A_165 = arith.constant 80 : index
      %swap3A_166 = tpu.vector_load %arg13[%swap3A_164, %swap3A_165] {strides = array<i32>} : memref<128x128xf32, #tpu.memory_space<vmem>>, vector<16xf32>,
      tpu.vector_store %arg13[%swap3A_164, %swap3A_165], %scan3A_147#5 {strides = array<i32>} : memref<128x128xf32, #tpu.memory_space<vmem>>, vector<16xf32>,
      %swap3A_167 = arith.index_cast %add3A_126 : i32 to index
      %swap3A_168 = arith.constant 96 : index
      %swap3A_169 = tpu.vector_load %arg13[%swap3A_167, %swap3A_168] {strides = array<i32>} : memref<128x128xf32, #tpu.memory_space<vmem>>, vector<16xf32>,
      tpu.vector_store %arg13[%swap3A_167, %swap3A_168], %scan3A_147#6 {strides = array<i32>} : memref<128x128xf32, #tpu.memory_space<vmem>>, vector<16xf32>,
      %swap3A_170 = arith.index_cast %add3A_126 : i32 to index
      %swap3A_171 = arith.constant 112 : index
      %swap3A_172 = tpu.vector_load %arg13[%swap3A_170, %swap3A_171] {strides = array<i32>} : memref<128x128xf32, #tpu.memory_space<vmem>>, vector<16xf32>,
      tpu.vector_store %arg13[%swap3A_170, %swap3A_171], %scan3A_147#7 {strides = array<i32>} : memref<128x128xf32, #tpu.memory_space<vmem>>, vector<16xf32>,
      %scan3A_173 = arith.constant 0 : i32
      scf.yield %scan3A_173 : i32
    }
    %scan3A_44 = arith.constant 64 : i32
    "tpu.region"() ({
      %run_scoped3A = tpu.sem_alloc : memref<!tpu.dma_semaphore, #tpu.memory_space<semaphore_mem>>
      %dma_start3A_45 = arith.constant 0 : i32
      %dma_start3A_46 = tpu.memref_slice %arg6[%mul3A_2, %dma_start3A_45] : memref<4096x128xf32, #tpu.memory_space<hbm>> -> memref<128x128xf32, #tpu.memory_space<hbm>>
      %dma_start3A_47 = arith.constant 0 : i32
      %dma_start3A_48 = tpu.memref_slice %arg6[%mul3A_2, %dma_start3A_47] : memref<4096x128xf32, #tpu.memory_space<hbm>> -> memref<128x128xf32, #tpu.memory_space<hbm>>
      tpu.enqueue_dma source(%arg12 : memref<128x128xf32, #tpu.memory_space<vmem>>) target(%dma_start3A_48 : memref<128x128xf32, #tpu.memory_space<hbm>>) target_semaphore(%run_scoped3A : memref<!tpu.dma_semaphore, #tpu.memory_space<semaphore_mem>>)
      %dma_wait3A = arith.constant 0 : i32
      %dma_wait3A_49 = tpu.memref_slice %arg6[%mul3A_2, %dma_wait3A] : memref<4096x128xf32, #tpu.memory_space<hbm>> -> memref<128x128xf32, #tpu.memory_space<hbm>>
      %dma_wait3A_50 = arith.constant 0 : i32
      %dma_wait3A_51 = tpu.memref_slice %arg6[%mul3A_2, %dma_wait3A_50] : memref<4096x128xf32, #tpu.memory_space<hbm>> -> memref<128x128xf32, #tpu.memory_space<hbm>>
      tpu.wait_dma2 semaphore(%run_scoped3A : memref<!tpu.dma_semaphore, #tpu.memory_space<semaphore_mem>>) src(%arg12 : memref<128x128xf32, #tpu.memory_space<vmem>>) dst(%dma_wait3A_51 : memref<128x128xf32, #tpu.memory_space<hbm>>)
      tpu.yield
    }) : () -> ()
    "tpu.region"() ({
      %run_scoped3A = tpu.sem_alloc : memref<!tpu.dma_semaphore, #tpu.memory_space<semaphore_mem>>
      %dma_start3A_45 = arith.constant 0 : i32
      %dma_start3A_46 = tpu.memref_slice %arg7[%mul3A_2, %dma_start3A_45] : memref<4096x128xf32, #tpu.memory_space<hbm>> -> memref<128x128xf32, #tpu.memory_space<hbm>>
      %dma_start3A_47 = arith.constant 0 : i32
      %dma_start3A_48 = tpu.memref_slice %arg7[%mul3A_2, %dma_start3A_47] : memref<4096x128xf32, #tpu.memory_space<hbm>> -> memref<128x128xf32, #tpu.memory_space<hbm>>
      tpu.enqueue_dma source(%arg13 : memref<128x128xf32, #tpu.memory_space<vmem>>) target(%dma_start3A_48 : memref<128x128xf32, #tpu.memory_space<hbm>>) target_semaphore(%run_scoped3A : memref<!tpu.dma_semaphore, #tpu.memory_space<semaphore_mem>>)
      %dma_wait3A = arith.constant 0 : i32
      %dma_wait3A_49 = tpu.memref_slice %arg7[%mul3A_2, %dma_wait3A] : memref<4096x128xf32, #tpu.memory_space<hbm>> -> memref<128x128xf32, #tpu.memory_space<hbm>>
      %dma_wait3A_50 = arith.constant 0 : i32
      %dma_wait3A_51 = tpu.memref_slice %arg7[%mul3A_2, %dma_wait3A_50] : memref<4096x128xf32, #tpu.memory_space<hbm>> -> memref<128x128xf32, #tpu.memory_space<hbm>>
      tpu.wait_dma2 semaphore(%run_scoped3A : memref<!tpu.dma_semaphore, #tpu.memory_space<semaphore_mem>>) src(%arg13 : memref<128x128xf32, #tpu.memory_space<vmem>>) dst(%dma_wait3A_51 : memref<128x128xf32, #tpu.memory_space<hbm>>)
      tpu.yield
    }) : () -> ()
    return
  }
}

module attributes {stable_mosaic.version = 14 : i64} {
  func.func @_convert2_body(%arg0: i32, %arg1: memref<5000x128xf32, #tpu.memory_space<vmem>>, %arg2: memref<5000x128xf32, #tpu.memory_space<vmem>>, %arg3: memref<5000x128xbf16, #tpu.memory_space<vmem>>, %arg4: memref<5000x128xbf16, #tpu.memory_space<vmem>>) attributes {dimension_semantics = [#tpu.dimension_semantics<arbitrary>], iteration_bounds = array<i64: 20>, scalar_prefetch = 0 : i64, scratch_operands = 0 : i64, tpu.core_type = #tpu.core_type<tc>, window_params = [{transform_indices = @transform_0, window_bounds = array<i64: 5000, 128>}, {transform_indices = @transform_1, window_bounds = array<i64: 5000, 128>}, {transform_indices = @transform_2, window_bounds = array<i64: 5000, 128>}, {transform_indices = @transform_3, window_bounds = array<i64: 5000, 128>}]} {
    %get3A = arith.constant 0 : index
    %get3A_0 = arith.constant 0 : index
    %get3A_1 = vector.load %arg1[%get3A, %get3A_0] : memref<5000x128xf32, #tpu.memory_space<vmem>>, vector<5000x128xf32>
    %convert_element_type3A = arith.truncf %get3A_1 : vector<5000x128xf32> to vector<5000x128xbf16>
    %swap3A = arith.constant 0 : index
    %swap3A_2 = arith.constant 0 : index
    %swap3A_3 = vector.load %arg3[%swap3A, %swap3A_2] : memref<5000x128xbf16, #tpu.memory_space<vmem>>, vector<5000x128xbf16>
    tpu.vector_store %arg3[%swap3A, %swap3A_2], %convert_element_type3A {strides = array<i32>} : memref<5000x128xbf16, #tpu.memory_space<vmem>>, vector<5000x128xbf16>,
    %get3A_4 = arith.constant 0 : index
    %get3A_5 = arith.constant 0 : index
    %get3A_6 = vector.load %arg2[%get3A_4, %get3A_5] : memref<5000x128xf32, #tpu.memory_space<vmem>>, vector<5000x128xf32>
    %convert_element_type3A_7 = arith.truncf %get3A_6 : vector<5000x128xf32> to vector<5000x128xbf16>
    %swap3A_8 = arith.constant 0 : index
    %swap3A_9 = arith.constant 0 : index
    %swap3A_10 = vector.load %arg4[%swap3A_8, %swap3A_9] : memref<5000x128xbf16, #tpu.memory_space<vmem>>, vector<5000x128xbf16>
    tpu.vector_store %arg4[%swap3A_8, %swap3A_9], %convert_element_type3A_7 {strides = array<i32>} : memref<5000x128xbf16, #tpu.memory_space<vmem>>, vector<5000x128xbf16>,
    return
  }
  func.func @transform_0(%arg0: i32) -> (i32, i32) {
    %c0_i32 = arith.constant 0 : i32
    %c0_i32_0 = arith.constant 0 : i32
    return %arg0, %c0_i32 : i32, i32
  }
  func.func @transform_1(%arg0: i32) -> (i32, i32) {
    %c0_i32 = arith.constant 0 : i32
    %c0_i32_0 = arith.constant 0 : i32
    return %arg0, %c0_i32 : i32, i32
  }
  func.func @transform_2(%arg0: i32) -> (i32, i32) {
    %c0_i32 = arith.constant 0 : i32
    %c0_i32_0 = arith.constant 0 : i32
    return %arg0, %c0_i32 : i32, i32
  }
  func.func @transform_3(%arg0: i32) -> (i32, i32) {
    %c0_i32 = arith.constant 0 : i32
    %c0_i32_0 = arith.constant 0 : i32
    return %arg0, %c0_i32 : i32, i32
  }
}

module attributes {stable_mosaic.version = 14 : i64} {
  func.func @_sim_body(%arg0: i32, %arg1: i32, %arg2: memref<512x128xf32, #tpu.memory_space<vmem>>, %arg3: memref<512x128xf32, #tpu.memory_space<vmem>>, %arg4: memref<512x512xf32, #tpu.memory_space<vmem>>) attributes {dimension_semantics = [#tpu.dimension_semantics<arbitrary>, #tpu.dimension_semantics<arbitrary>], iteration_bounds = array<i64: 8, 8>, scalar_prefetch = 0 : i64, scratch_operands = 0 : i64, tpu.core_type = #tpu.core_type<tc>, window_params = [{transform_indices = @transform_0, window_bounds = array<i64: 512, 128>}, {transform_indices = @transform_1, window_bounds = array<i64: 512, 128>}, {transform_indices = @transform_2, window_bounds = array<i64: 512, 512>}]} {
    %get3A = arith.constant 0 : index
    %get3A_0 = arith.constant 0 : index
    %get3A_1 = vector.load %arg2[%get3A, %get3A_0] : memref<512x128xf32, #tpu.memory_space<vmem>>, vector<512x128xf32>
    %get3A_2 = arith.constant 0 : index
    %get3A_3 = arith.constant 0 : index
    %get3A_4 = vector.load %arg3[%get3A_2, %get3A_3] : memref<512x128xf32, #tpu.memory_space<vmem>>, vector<512x128xf32>
    %mul3A = arith.mulf %get3A_1, %get3A_1 : vector<512x128xf32>
    %reduce_sum3A = arith.constant dense<0.000000e+00> : vector<512xf32>
    %reduce_sum3A_5 = vector.multi_reduction <add>, %mul3A, %reduce_sum3A [1] : vector<512x128xf32> to vector<512xf32>
    %broadcast_in_dim3A = vector.shape_cast %reduce_sum3A_5 : vector<512xf32> to vector<512x1xf32>
    %sqrt3A = math.sqrt %broadcast_in_dim3A : vector<512x1xf32>
    %add3A = arith.constant 1.000000e-10 : f32
    %add3A_6 = vector.broadcast %add3A : f32 to vector<512x1xf32>
    %add3A_7 = arith.addf %sqrt3A, %add3A_6 : vector<512x1xf32>
    %div3A = vector.broadcast %add3A_7 : vector<512x1xf32> to vector<512x128xf32>
    %div3A_8 = arith.divf %get3A_1, %div3A : vector<512x128xf32>
    %mul3A_9 = arith.mulf %get3A_4, %get3A_4 : vector<512x128xf32>
    %reduce_sum3A_10 = arith.constant dense<0.000000e+00> : vector<512xf32>
    %reduce_sum3A_11 = vector.multi_reduction <add>, %mul3A_9, %reduce_sum3A_10 [1] : vector<512x128xf32> to vector<512xf32>
    %broadcast_in_dim3A_12 = vector.shape_cast %reduce_sum3A_11 : vector<512xf32> to vector<512x1xf32>
    %sqrt3A_13 = math.sqrt %broadcast_in_dim3A_12 : vector<512x1xf32>
    %add3A_14 = arith.constant 1.000000e-10 : f32
    %add3A_15 = vector.broadcast %add3A_14 : f32 to vector<512x1xf32>
    %add3A_16 = arith.addf %sqrt3A_13, %add3A_15 : vector<512x1xf32>
    %div3A_17 = vector.broadcast %add3A_16 : vector<512x1xf32> to vector<512x128xf32>
    %div3A_18 = arith.divf %get3A_4, %div3A_17 : vector<512x128xf32>
    %convert_element_type3A = arith.truncf %div3A_8 : vector<512x128xf32> to vector<512x128xbf16>
    %convert_element_type3A_19 = arith.truncf %div3A_18 : vector<512x128xf32> to vector<512x128xbf16>
    %dot_general3A = arith.constant dense<0.000000e+00> : vector<512x512xf32>
    %dot_general3A_20 = tpu.matmul %convert_element_type3A, %convert_element_type3A_19, %dot_general3A {dimension_numbers = #tpu.dot_dimension_numbers<[1], [1], [0], [0], [0, 0, 1, 0], [], []>, transpose_lhs_hint = false} : vector<512x128xbf16>, vector<512x128xbf16>, vector<512x512xf32> -> vector<512x512xf32>
    %swap3A = arith.constant 0 : index
    %swap3A_21 = arith.constant 0 : index
    %swap3A_22 = vector.load %arg4[%swap3A, %swap3A_21] : memref<512x512xf32, #tpu.memory_space<vmem>>, vector<512x512xf32>
    tpu.vector_store %arg4[%swap3A, %swap3A_21], %dot_general3A_20 {strides = array<i32>} : memref<512x512xf32, #tpu.memory_space<vmem>>, vector<512x512xf32>,
    return
  }
  func.func @transform_0(%arg0: i32, %arg1: i32) -> (i32, i32) {
    %c0_i32 = arith.constant 0 : i32
    %c0_i32_0 = arith.constant 0 : i32
    return %arg0, %c0_i32 : i32, i32
  }
  func.func @transform_1(%arg0: i32, %arg1: i32) -> (i32, i32) {
    %c0_i32 = arith.constant 0 : i32
    %c0_i32_0 = arith.constant 0 : i32
    return %arg1, %c0_i32 : i32, i32
  }
  func.func @transform_2(%arg0: i32, %arg1: i32) -> (i32, i32) {
    %c0_i32 = arith.constant 0 : i32
    return %arg0, %arg1 : i32, i32
  }
}

</mosaic_0001>

<sc_bundles>
// kernel: kernel.5.cloned.1.call-start
scs
__scs_entry_jumppad:
0x0: {  	(pc) =	sbr.rel $0x88, $3  }
0x1: {  	(tag) =	ssettag $0x0;
	lr =	simm.s32 $0x1  }
0x2: {  	[smem:$0x3F9D] =	sst lr;
	_ =	strace $0xD0000000  }
0x3: {  	_ = 	snop  }
0x4: {  	_ = 	snop  }
0x5: {  	_ = 	snop  }
0x6: {  	_ = 	snop  }
0x7: {  	_ = 	snop  }
__scs_overlays_trampoline_lowered:
0x8: {  	[smem:$0x3FAC] =	sst s0  }
0x9: {  	[smem:$0x3FAD] =	sst s1  }
0xa: {  	[smem:$0x3FAE] =	sst s2  }
0xb: {  	[smem:$0x3FAF] =	sst s3  }
0xc: {  	[smem:$0x3FB0] =	sst s4  }
0xd: {  	[smem:$0x3FB1] =	sst s5  }
0xe: {  	[smem:$0x3FB2] =	sst s6  }
0xf: {  	[smem:$0x3FB3] =	sst s7  }
0x10: {  	[smem:$0x3FB4] =	sst s8  }
0x11: {  	[smem:$0x3FB5] =	sst s9;
	s0 =	simm.s32 @!p0 $0x0  }
0x12: {  	s1 =	sld [smem:$0x3F9B];
	s0 =	simm.s32 @p0 $0x1  }
0x13: {  	[smem:$0x3FB6] =	sst s0;
	s0 =	simm.s32 @!p1 $0x0  }
0x14: {  	s2 =	sld [smem:$0x3F9A];
	s0 =	simm.s32 @p1 $0x1  }
0x15: {  	[smem:$0x3FB7] =	sst s0;
	s0 =	simm.s32 @!p2 $0x0  }
0x16: {  	s3 =	sld [smem:$0x3FDB];
	s0 =	simm.s32 @p2 $0x1  }
0x17: {  	s4 =	simm.s32 $0x1BF5;
	[smem:$0x3FB9] =	sst s0  }
0x18: {  	s0 =	sld [smem:$0x3F9C];
	_ =	swait.ge [sflag:s4], $0x0  }
0x19: {  	s7 =	sld [smem:$0x3F9D]  }
0x1a: {  	s8 =	sadd.s32 $0xFFFFE003, lr  }
0x1b: {  	s9 =	sadd.s32 $0xFFFFFEF7, lr;
	s5 =	simm.s32 $0xFFFFFFFF;
	p2 =	slt.u32 s8, $0xFFFFF086  }
0x1c: {  	p1 =	slt.u32 s9, $0xF7A;
	s5 =	simm.s32 @!p2 $0x0  }
0x1d: {  	s5 =	simm.s32 @p1 $0x1;
	p0 =	seq.s32 s7, s2  }
0x1e: {  	s7 =	smul.u32 @!p0 $0xF7A, s2;
	p2 =	seq.s32 @!p0 s5, $0x0  }
0x1f: {  	s9 =	smul.u32 $0xF7A, s1;
	s8 =	simm.s32 @!p0 $0x1BF5;
	p2 =	por !p2, p0  }
0x20: {  	[sflag:s8] =	ssyncset.s32 @!p0 $0xFFFFF086;
	s6 =	sadd.s32 @!p0 s3, s7;
	s7 =	simm.s32 @!p0 $0x108  }
0x21: {  	s3 =	sadd.s32 s3, s9;
	s6 =	sadd.s32 @!p0 $0x88, s6;
	s7 =	simm.s32 @p2 $0x1082  }
0x22: {  	[simem:s7], [sflag:s8] =	dma.local @!p0 [hbm:s6], $0xF7A  }
0x23: {  	s9 =	sor.u32 $0xD0000000, s2;
	s6 =	simm.s32 $0x108;
	_ =	swait.ge @!p0 [sflag:s8], $0x0  }
0x24: {  	s3 =	sadd.s32 $0x88, s3;
	s6 =	simm.s32 @!p1 $0x1082;
	[sflag:s4] =	ssyncset.s32 $0xFFFFF086  }
0x25: {  	[simem:s6], [sflag:s4] =	dma.local [hbm:s3], $0xF7A  }
0x26: {  	[smem:$0x3F9D] =	sst s1;
	(tag) =	ssettag s2;
	_ =	strace s9  }
0x27: {  	s1 =	sld [smem:$0x3FAD]  }
0x28: {  	s2 =	sld [smem:$0x3FAE]  }
0x29: {  	s4 =	sld [smem:$0x3FB0]  }
0x2a: {  	p0 =	seq.s32 s5, $0x0;
	s5 =	sld [smem:$0x3FB1]  }
0x2b: {  	s6 =	sld [smem:$0x3FB2]  }
0x2c: {  	s7 =	sld [smem:$0x3FB3]  }
0x2d: {  	s3 =	simm.s32 $0x108;
	s8 =	sld [smem:$0x3FB4]  }
0x2e: {  	s3 =	simm.s32 @!p0 $0x1082;
	s9 =	sld [smem:$0x3FB5]  }
0x2f: {  	lr =	sadd.s32 s0, s3;
	s0 =	sld [smem:$0x3FAC]  }
0x30: {  	s3 =	sld [smem:$0x3FAF]  }
0x31: {  	[smem:$0x3FB8] =	sst s10  }
0x32: {  	s10 =	sld [smem:$0x3FB6];
	_ =	sdelay $0x3  }
0x33: {  	p0 =	seq.s32 s10, $0x1;
	s10 =	sld [smem:$0x3FB8];
	_ =	sdelay $0x3  }
0x34: {  	[smem:$0x3FB8] =	sst s10  }
0x35: {  	s10 =	sld [smem:$0x3FB7];
	_ =	sdelay $0x3  }
0x36: {  	p1 =	seq.s32 s10, $0x1;
	s10 =	sld [smem:$0x3FB8];
	_ =	sdelay $0x3  }
0x37: {  	[smem:$0x3FB8] =	sst s10  }
0x38: {  	s10 =	sld [smem:$0x3FB9]  }
0x39: {  	_ = 	snop;
	(pc) =	sbr.ind lr, $3  }
0x3a: {  	_ = 	snop  }
0x3b: {  	_ = 	snop  }
0x3c: {  	p2 =	seq.s32 s10, $0x1;
	s10 =	sld [smem:$0x3FB8]  }
0x3d: {  	_ =	shalt  }
0x3e: {  	_ =	shalt  }
0x3f: {  	_ =	shalt  }
0x40: {  	_ =	shalt  }
0x41: {  	_ =	shalt  }
0x42: {  	_ =	shalt  }
0x43: {  	_ =	shalt  }
0x44: {  	_ =	shalt  }
0x45: {  	_ =	shalt  }
0x46: {  	_ =	shalt  }
0x47: {  	_ =	shalt  }
0x48: {  	_ =	shalt  }
0x49: {  	_ =	shalt  }
0x4a: {  	_ =	shalt  }
0x4b: {  	_ =	shalt  }
0x4c: {  	_ =	shalt  }
0x4d: {  	_ =	shalt  }
0x4e: {  	_ =	shalt  }
0x4f: {  	_ =	shalt  }
0x50: {  	_ =	shalt  }
0x51: {  	_ =	shalt  }
0x52: {  	_ =	shalt  }
0x53: {  	_ =	shalt  }
0x54: {  	_ =	shalt  }
0x55: {  	_ =	shalt  }
0x56: {  	_ =	shalt  }
0x57: {  	_ =	shalt  }
0x58: {  	_ =	shalt  }
0x59: {  	_ =	shalt  }
0x5a: {  	_ =	shalt  }
0x5b: {  	_ =	shalt  }
0x5c: {  	_ =	shalt  }
0x5d: {  	_ =	shalt  }
0x5e: {  	_ =	shalt  }
0x5f: {  	_ =	shalt  }
0x60: {  	_ =	shalt  }
0x61: {  	_ =	shalt  }
0x62: {  	_ =	shalt  }
0x63: {  	_ =	shalt  }
0x64: {  	_ =	shalt  }
0x65: {  	_ =	shalt  }
0x66: {  	_ =	shalt  }
0x67: {  	_ =	shalt  }
0x68: {  	_ =	shalt  }
0x69: {  	_ =	shalt  }
0x6a: {  	_ =	shalt  }
0x6b: {  	_ =	shalt  }
0x6c: {  	_ =	shalt  }
0x6d: {  	_ =	shalt  }
0x6e: {  	_ =	shalt  }
0x6f: {  	_ =	shalt  }
0x70: {  	_ =	shalt  }
0x71: {  	_ =	shalt  }
0x72: {  	_ =	shalt  }
0x73: {  	_ =	shalt  }
0x74: {  	_ =	shalt  }
0x75: {  	_ =	shalt  }
0x76: {  	_ =	shalt  }
0x77: {  	_ =	shalt  }
0x78: {  	_ =	shalt  }
0x79: {  	_ =	shalt  }
0x7a: {  	_ =	shalt  }
0x7b: {  	_ =	shalt  }
0x7c: {  	_ =	shalt  }
0x7d: {  	_ =	shalt  }
0x7e: {  	_ =	shalt  }
0x7f: {  	_ =	shalt  }
0x80: {  	_ =	shalt  }
0x81: {  	_ =	shalt  }
0x82: {  	_ =	shalt  }
0x83: {  	_ =	shalt  }
0x84: {  	_ =	shalt  }
0x85: {  	_ =	shalt  }
0x86: {  	_ =	shalt  }
0x87: {  	_ =	shalt  }
.Lfunc_end0:
.L_simem_size_0:
called_computation_lowered:
.L_overlay_start_0:
0x88: {  	s2 =	sld [smem:$0x3FD9]  }
0x89: {  	s3 =	sld [smem:$0x3FFE];
	_ =	sdelay $0x1  }
0x8a: {  	s1 =	srdreg.scid  }
0x8b: {  	s0 =	sand.u32 $0x1, s1  }
0x8c: {  	s17 =	sshll.u32 s0, $0xA;
	s2 =	sadd.s32 s3, s2  }
0x8d: {  	s2 =	sadd.s32 s2, s17  }
0x8e: {  	[smem:$0x3FC4] =	sst s2  }
0x8f: {  	_ = 	snop  }
0x90: {  	s2 =	sld [smem:$0x3FD0];
	(tm) =	ssettm $0x1  }
0x91: {  	s18 =	sld [smem:$0x3FFB];
	_ =	sdelay $0x3  }
0x92: {  	_ =	strace s18  }
0x93: {  	s3 =	sld [smem:$0x3FFC];
	_ =	sdelay $0x3  }
0x94: {  	_ =	strace s3  }
0x95: {  	s3 =	sld [smem:$0x3FFD];
	_ =	sdelay $0x3  }
0x96: {  	_ =	strace s3  }
0x97: {  	_ =	strace $0x8FFFFFFF  }
0x98: {  	s19 =	sld [smem:$0x3FDB];
	_ =	sdelay $0x1  }
0x99: {  	s4 =	simm.s32 $_scs_section_size  }
0x9a: {  	s5 =	simm.s32 $_size__tile_overlayer_lowered;
	s6 =	simm.s32 $_tile_overlayer_lowered  }
0x9b: {  	s22 =	simm.s32 $0x1BFF;
	s21 =	sshll.u32 s6, $0x1;
	s3 =	sadd.s32 s4, s19  }
0x9c: {  	s7 =	simm.s32 $0x0;
	s20 =	sshll.u32 s5, $0x1;
	s5 =	sadd.s32 s21, s3  }
0x9d: {  	[timem:s7], [sflag:s22] =	dma.local [hbm:s5], s20  }
0x9e: {  	_ =	swait.ge [sflag:s22], s20  }
0x9f: {  	s4 =	ssub.s32 $0x0, s20;
	[sflag:s22] =	ssyncset.done $0x0  }
0xa0: {  	[sflag:s22] =	ssyncadd.s32 s4;
	_ =	sdelay $0x1  }
0xa1: {  	s23 =	simm.s32 $0x1B8B  }
0xa2: {  	_ =	swait.ge [sflag:s23], $0x1  }
0xa3: {  	[sflag:s23] =	ssyncset.done $0x0  }
0xa4: {  	s25 =	simm.s32 $0x1B8E;
	s24 =	sld [smem:$0x3FFE];
	[sflag:s23] =	ssyncadd.s32 $0xFFFFFFFF  }
0xa5: {  	s26 =	simm.s32 $execute0_lowered;
	[smem:$0x3FD2] =	sst s25  }
0xa6: {  	s5 =	sshll.u32 s26, $0x1;
	_ =	strace $0x80000046;
	[dreg:$0x1] =	wrdreg $0xFFFFFFFF  }
0xa7: {  	s28 =	simm.s32 $_size_execute0_lowered;
	s3 =	sadd.s32 s3, s5;
	[dreg:$0x0] =	wrdreg $0x0  }
0xa8: {  	s5 =	sshll.u32 s28, $0x1;
	[dreg:$0x2] =	wrdreg s3  }
0xa9: {  	[dreg:$0x3] =	wrdreg s5  }
0xaa: {  	[dreg:$0x4] =	wrdreg $0xC0  }
0xab: {  	_ =	task [dreg:s7], $0x5FFFF  }
0xac: {  	[dreg:$0x1] =	wrdreg $0xFFFFFFFF  }
0xad: {  	[dreg:$0x0] =	wrdreg $0x60  }
0xae: {  	[dreg:$0x2] =	wrdreg s2  }
0xaf: {  	[dreg:$0x3] =	wrdreg s24  }
0xb0: {  	[dreg:$0x4] =	wrdreg $0x9  }
0xb1: {  	_ =	task.clear_ibuf [dreg:s7], $0x5FFFF;
	_ =	strace $0x90000046  }
0xb2: {  	s29 =	simm.s32 $0x9;
	_ =	strace $0x80000048  }
0xb3: {  	_ =	swait.ge [sflag:s29], $0x1  }
0xb4: {  	[sflag:s29] =	ssyncadd.s32 $0xFFFFFFFF  }
0xb5: {  	_ =	strace $0x90000048  }
0xb6: {  	_ =	sfence  }
0xb7: {  	s30 =	sld [smem:$0x0];
	_ =	sdelay $0x2  }
0xb8: {  	s31 =	sshll.u32 s1, $0xD;
	s1 =	sshrl.u32 s1, $0x2  }
0xb9: {  	s3 =	sand.u32 $0x4000, s31;
	s1 =	sadd.s32 s1, s30  }
0xba: {  	s0 =	sor.u32 s3, s0;
	s1 =	sshll.u32 s1, $0x11  }
0xbb: {  	s0 =	sor.u32 s1, s0  }
0xbc: {  	s0 =	sadd.s32 $0x8F2B, s0  }
0xbd: {  	[sflag:s0] =	ssyncadd.remote.s32 $0x1  }
0xbe: {  	_ =	sfence.sel $0xFFFF  }
0xbf: {  	[dreg:$0x0] =	wrdreg $0xFFFFFFFF;
	(pc) =	sbr.abs _section_cstart, $3  }
0xc0: {  	[dreg:$0x1] =	wrdreg $0xFFFFFFFF  }
0xc1: {  	_ =	task.clear_ibuf [dreg:s7], $0x2FFFF;
	_ =	strace $0x9FFFFFFF  }
0xc2: {  	(tm) =	ssettm $0x7FFFFFFF  }
0xc3: {  	_ =	shalt  }
tec
execute0_lowered:
.L_overlay_start_1:
0x0: {  	(tag) =	ssettag $0x1  }
0x1: {  	s1 =	srdreg.scid;
	s6 =	rddreg [dreg:$0x0]  }
0x2: {  	s0 =	stileid.u32;
	s7 =	rddreg [dreg:$0x1];
	s12 =	simm.s32 $0x68  }
0x3: {  	s13 =	simm.s32 $0x7000;
	s14 =	simm.s32 $0x60;
	s15 =	simm.s32 $0x8A00  }
0x4: {  	s16 =	simm.s32 $0xA200;
	s17 =	simm.s32 $0xBC00;
	s18 =	simm.s32 $0x1  }
0x5: {  	s19 =	simm.s32 $0x2;
	s20 =	simm.s32 $0x14;
	s21 =	simm.s32 $0xD400  }
0x6: {  	s22 =	simm.s32 $0x11400;
	s23 =	simm.s32 $0x0;
	s5 =	sand.u32 $0x1, s1  }
0x7: {  	s31 =	sshll.u32 s0, $0x8;
	s1 =	rddreg [dreg:$0x2];
	s2 =	sshll.u32 s5, $0x7  }
0x8: {  	s4 =	sadd.s32 $0xC4800, s7;
	s5 =	ssub.s32 $0x2, s5;
	s8 =	sor.u32 s2, s31  }
0x9: {  	s2 =	simm.s32 $0x0;
	s11 =	sshrl.u32 s5, $0x1;
	s3 =	smul.u32 $0x3, s8  }
0xa: {  	[smem:$0x7FF] =	sst s2;
	s10 =	sshll.u32 s8, $0x4;
	s8 =	smul.u32 $0x19, s8  }
0xb: {  	s11 =	ssub.s32 s5, s11;
	_ =	strace $0x80000047;
	s10 =	sadd.s32 s10, s7  }
0xc: {  	s9 =	sadd.s32 s3, s7;
	s3 =	sadd.s32 $0x1200, s7;
	s6 =	sadd.s32 s6, s8  }
0xd: {  	s7 =	sadd.s32 $0x18AE00, s10;
	s8 =	sadd.s32 $0x19AE00, s10;
	s10 =	simm.s32 $0x3  }
0xe: {  	s5 =	sadd.s32 $0x187E00, s9;
	s9 =	smax.u32 s11, $0x1;
	s11 =	simm.s32 $0x6400  }
.LBB2_1:
0xf: {  	[tilespmem:s2], [sflag:$0x3] =	stream.linear.gather [hbm4b:s6+s2], $0x6400, $0x38;
	[tilespmem:$0x15400] =	vst v63  }
0x10: {  	_ =	swait.ge [sflag:s10], $0x6400  }
0x11: {  	[sflag:s10] =	ssyncset.done $0x0  }
0x12: {  	[sflag:s10] =	ssyncadd.s32 $0xFFFF9C00  }
0x13: {  	[tilespmem:s11], [sflag:$0x3] =	stream.linear.gather [hbm4b:s5+s2], $0xC00, $0x38;
	[tilespmem:$0x15400] =	vst v63  }
0x14: {  	_ =	swait.ge [sflag:s10], $0xC00  }
0x15: {  	[sflag:s10] =	ssyncset.done $0x0  }
0x16: {  	[sflag:s10] =	ssyncadd.s32 $0xFFFFF400  }
0x17: {  	[tilespmem:s13], [sflag:$0x1] =	stream.indirect.gather [hbm4b:s3+s12], $0x40, s2, s12, $0xb8;
	[tilespmem:$0x15400] =	vst v63  }
0x18: {  	s24 =	simm.s32 $0x0  }
0x19: {  	[tilespmem:s15], [sflag:$0x1] =	stream.indirect.gather [hbm4b:s3+s14], $0x40, s12, s14, $0xb8;
	[tilespmem:$0x15400] =	vst v63  }
.LBB2_2:
0x1a: {  	s25 =	sshllo.u32 s24, $0x1  }
0x1b: {  	s26 =	smul.u32 $0x320, s25;
	_ =	sdelay $0x1  }
0x1c: {  	s26 =	sshra.s32 s26, $0x2  }
0x1d: {  	[tilespmem:s16], [sflag:$0x2] =	stream.indirect.gather [hbm4b:s3+s12], $0x40, s26, s12, $0xb8;
	[tilespmem:$0x15400] =	vst v63  }
0x1e: {  	s26 =	sadd.s32 $0x68, s26  }
0x1f: {  	[tilespmem:s17], [sflag:$0x2] =	stream.indirect.gather [hbm4b:s3+s14], $0x40, s26, s14, $0xb8;
	[tilespmem:$0x15400] =	vst v63  }
0x20: {  	_ =	swait.ge [sflag:s18], $0x1A00  }
0x21: {  	[sflag:s18] =	ssyncset.done $0x0  }
0x22: {  	[sflag:s18] =	ssyncadd.s32 $0xFFFFE600  }
0x23: {  	_ =	swait.ge [sflag:s18], $0x1800  }
0x24: {  	[sflag:s18] =	ssyncset.done $0x0  }
0x25: {  	s31 =	simm.s32 $0x0;
	[sflag:s18] =	ssyncadd.s32 $0xFFFFE800  }
0x26: {  	v3 =	vld [tilespmem:s31+$0x7030]  }
0x27: {  	v0 =	vld [tilespmem:s31+$0x7000]  }
0x28: {  	v5 =	vld [tilespmem:s31+$0x7010]  }
0x29: {  	v6 =	vld [tilespmem:s31+$0x7020];
	_ =	sdelay $0x1  }
0x2a: {  	v2 =	vimm.f32 $0.0e+00;
	s28 =	simm.s32 $0x40  }
0x2b: {  	v1 =	vld [tilespmem:s28+$0x7030];
	v4 =	vunpack.i.u.bf16.f32 v3;
	v7 =	vunpack.i.u.bf16.f32 v0;
	v8 =	vunpack.i.l.bf16.f32 v0  }
0x2c: {  	v12 =	vld [tilespmem:s28+$0x7000];
	v9 =	vunpack.i.u.bf16.f32 v5;
	v5 =	vunpack.i.l.bf16.f32 v5;
	v0 =	vadd.f32 v4, v2  }
0x2d: {  	v11 =	vld [tilespmem:s28+$0x7010];
	v13 =	vunpack.i.u.bf16.f32 v6;
	v4 =	vadd.f32 v8, v2;
	v8 =	vadd.f32 v7, v2  }
0x2e: {  	v6 =	vunpack.i.l.bf16.f32 v6;
	v10 =	vadd.f32 v5, v2;
	v5 =	vadd.f32 v9, v2;
	v9 =	vld [tilespmem:s28+$0x7020]  }
0x2f: {  	s26 =	simm.s32 $0x200;
	v7 =	vunpack.i.l.bf16.f32 v3;
	v6 =	vadd.f32 v6, v2;
	v3 =	vadd.f32 v13, v2  }
.LBB2_3:
0x30: {  	s28 =	sshra.s32 s26, $0x2;
	p0 =	sne.s32 s26, $0xC700;
	s26 =	sadd.s32 $0x100, s26;
	v13 =	vunpack.i.u.bf16.f32 v1;
	v2 =	vadd.f32 v7, v2;
	v7 =	vunpack.i.l.bf16.f32 v1  }
.Ltmp0:
0x31: {  	v1 =	vld [tilespmem:s28+$0x7030];
	v14 =	vunpack.i.u.bf16.f32 v12;
	v15 =	vunpack.i.l.bf16.f32 v12;
	v0 =	vadd.f32 v13, v0;
	(pc) =	sbr.rel @p0 .LBB2_3-.Ltmp0, $4  }
0x32: {  	v12 =	vld [tilespmem:s28+$0x7000];
	v4 =	vadd.f32 v15, v4;
	v13 =	vunpack.i.u.bf16.f32 v11;
	v15 =	vunpack.i.l.bf16.f32 v11  }
0x33: {  	v8 =	vadd.f32 v14, v8;
	v11 =	vld [tilespmem:s28+$0x7010];
	v14 =	vunpack.i.u.bf16.f32 v9;
	v16 =	vunpack.i.l.bf16.f32 v9  }
0x34: {  	v10 =	vadd.f32 v15, v10;
	v5 =	vadd.f32 v13, v5;
	v9 =	vld [tilespmem:s28+$0x7020]  }
0x35: {  	v6 =	vadd.f32 v16, v6;
	v3 =	vadd.f32 v14, v3  }
0x36: {  	_ = 	snop  }
0x37: {  	v13 =	vunpack.i.l.bf16.f32 v12  }
0x38: {  	s26 =	sshll.u32 s24, $0x8;
	v12 =	vunpack.i.u.bf16.f32 v12;
	v4 =	vadd.f32 v13, v4  }
0x39: {  	s26 =	sand.u32 $0x3FFFFF00, s26;
	v13 =	vunpack.i.l.bf16.f32 v11;
	v8 =	vadd.f32 v12, v8  }
0x3a: {  	v11 =	vunpack.i.u.bf16.f32 v11;
	v10 =	vadd.f32 v13, v10;
	[tilespmem:s26+$0xD400] =	vst v4  }
0x3b: {  	v2 =	vadd.f32 v7, v2;
	v5 =	vadd.f32 v11, v5;
	v7 =	vunpack.i.u.bf16.f32 v9;
	[tilespmem:s26+$0xD410] =	vst v8  }
0x3c: {  	v4 =	vunpack.i.l.bf16.f32 v9;
	v3 =	vadd.f32 v7, v3;
	[tilespmem:s26+$0xD420] =	vst v10  }
0x3d: {  	p0 =	seq.s32 s24, $0x3F;
	v4 =	vadd.f32 v4, v6;
	v6 =	vunpack.i.l.bf16.f32 v1;
	[tilespmem:s26+$0xD430] =	vst v5  }
0x3e: {  	s28 =	smul.u32 @!p0 $0x640, s24;
	v1 =	vunpack.i.u.bf16.f32 v1;
	v2 =	vadd.f32 v6, v2;
	[tilespmem:s26+$0xD450] =	vst v3  }
0x3f: {  	v0 =	vadd.f32 v1, v0;
	[tilespmem:s26+$0xD440] =	vst v4  }
0x40: {  	s28 =	sshra.s32 @!p0 s28, $0x2;
	[tilespmem:s26+$0xD460] =	vst v2  }
0x41: {  	s29 =	simm.s32 @!p0 $0x68;
	s30 =	simm.s32 @!p0 $0x7000;
	[tilespmem:s26+$0xD470] =	vst v0;
	s26 =	sadd.s32 @!p0 $0x190, s28  }
0x42: {  	[tilespmem:s30], [sflag:$0x1] =	stream.indirect.gather @!p0 [hbm4b:s3+s29], $0x40, s26, s29, $0xb8;
	[tilespmem:$0x15400] =	vst v63  }
0x43: {  	s26 =	sadd.s32 @!p0 $0x1F8, s28;
	s28 =	simm.s32 @!p0 $0x60;
	s29 =	simm.s32 @!p0 $0x8A00  }
0x44: {  	[tilespmem:s29], [sflag:$0x1] =	stream.indirect.gather @!p0 [hbm4b:s3+s28], $0x40, s26, s28, $0xb8;
	[tilespmem:$0x15400] =	vst v63  }
0x45: {  	_ =	swait.ge [sflag:s19], $0x1A00  }
0x46: {  	[sflag:s19] =	ssyncset.done $0x0  }
0x47: {  	[sflag:s19] =	ssyncadd.s32 $0xFFFFE600  }
0x48: {  	_ =	swait.ge [sflag:s19], $0x1800  }
0x49: {  	[sflag:s19] =	ssyncset.done $0x0  }
0x4a: {  	s30 =	simm.s32 $0x0;
	[sflag:s19] =	ssyncadd.s32 $0xFFFFE800  }
0x4b: {  	v3 =	vld [tilespmem:s30+$0xA230]  }
0x4c: {  	v0 =	vld [tilespmem:s30+$0xA200]  }
0x4d: {  	v5 =	vld [tilespmem:s30+$0xA210]  }
0x4e: {  	v6 =	vld [tilespmem:s30+$0xA220];
	_ =	sdelay $0x1  }
0x4f: {  	s31 =	simm.s32 $0x40;
	v2 =	vimm.f32 $0.0e+00  }
0x50: {  	v1 =	vld [tilespmem:s31+$0xA230];
	v4 =	vunpack.i.u.bf16.f32 v3;
	v7 =	vunpack.i.u.bf16.f32 v0;
	v8 =	vunpack.i.l.bf16.f32 v0  }
0x51: {  	v12 =	vld [tilespmem:s31+$0xA200];
	v9 =	vunpack.i.u.bf16.f32 v5;
	v5 =	vunpack.i.l.bf16.f32 v5;
	v0 =	vadd.f32 v4, v2  }
0x52: {  	v11 =	vld [tilespmem:s31+$0xA210];
	v13 =	vunpack.i.u.bf16.f32 v6;
	v4 =	vadd.f32 v8, v2;
	v8 =	vadd.f32 v7, v2  }
0x53: {  	v6 =	vunpack.i.l.bf16.f32 v6;
	v10 =	vadd.f32 v5, v2;
	v5 =	vadd.f32 v9, v2;
	v9 =	vld [tilespmem:s31+$0xA220]  }
0x54: {  	s26 =	simm.s32 $0x200;
	v7 =	vunpack.i.l.bf16.f32 v3;
	v6 =	vadd.f32 v6, v2;
	v3 =	vadd.f32 v13, v2  }
.LBB2_5:
0x55: {  	s28 =	sshra.s32 s26, $0x2;
	p0 =	sne.s32 s26, $0xC700;
	s26 =	sadd.s32 $0x100, s26;
	v13 =	vunpack.i.u.bf16.f32 v1;
	v2 =	vadd.f32 v7, v2;
	v7 =	vunpack.i.l.bf16.f32 v1  }
.Ltmp1:
0x56: {  	v1 =	vld [tilespmem:s28+$0xA230];
	v14 =	vunpack.i.u.bf16.f32 v12;
	v15 =	vunpack.i.l.bf16.f32 v12;
	v0 =	vadd.f32 v13, v0;
	(pc) =	sbr.rel @p0 .LBB2_5-.Ltmp1, $4  }
0x57: {  	v12 =	vld [tilespmem:s28+$0xA200];
	v4 =	vadd.f32 v15, v4;
	v13 =	vunpack.i.u.bf16.f32 v11;
	v15 =	vunpack.i.l.bf16.f32 v11  }
0x58: {  	v8 =	vadd.f32 v14, v8;
	v11 =	vld [tilespmem:s28+$0xA210];
	v14 =	vunpack.i.u.bf16.f32 v9;
	v16 =	vunpack.i.l.bf16.f32 v9  }
0x59: {  	v10 =	vadd.f32 v15, v10;
	v5 =	vadd.f32 v13, v5;
	v9 =	vld [tilespmem:s28+$0xA220]  }
0x5a: {  	v6 =	vadd.f32 v16, v6;
	v3 =	vadd.f32 v14, v3  }
0x5b: {  	v63 =	vunpack.i.u.bf16.f32 v1  }
0x5c: {  	s25 =	sshll.u32 s25, $0x7;
	v13 =	vunpack.i.l.bf16.f32 v12;
	v0 =	vadd.f32 v63, v0  }
0x5d: {  	v2 =	vadd.f32 v7, v2;
	v57 =	vunpack.i.u.bf16.f32 v12;
	s25 =	sand.u32 $0x3FFFFF80, s25;
	v4 =	vadd.f32 v13, v4  }
0x5e: {  	v62 =	vunpack.i.l.bf16.f32 v1;
	v8 =	vadd.f32 v57, v8;
	[tilespmem:s25+$0xD470] =	vst v0  }
0x5f: {  	s24 =	sadd.s32 $0x1, s24;
	v58 =	vunpack.i.l.bf16.f32 v11;
	v2 =	vadd.f32 v62, v2;
	[tilespmem:s25+$0xD400] =	vst v4  }
0x60: {  	p0 =	sne.s32 s24, $0x40;
	v59 =	vunpack.i.u.bf16.f32 v11;
	v10 =	vadd.f32 v58, v10;
	[tilespmem:s25+$0xD410] =	vst v8  }
.Ltmp2:
0x61: {  	v60 =	vunpack.i.l.bf16.f32 v9;
	v5 =	vadd.f32 v59, v5;
	[tilespmem:s25+$0xD460] =	vst v2;
	(pc) =	sbr.rel @p0 .LBB2_2-.Ltmp2, $4  }
0x62: {  	v61 =	vunpack.i.u.bf16.f32 v9;
	v4 =	vadd.f32 v60, v6;
	[tilespmem:s25+$0xD420] =	vst v10  }
0x63: {  	v3 =	vadd.f32 v61, v3;
	[tilespmem:s25+$0xD430] =	vst v5  }
0x64: {  	[tilespmem:s25+$0xD440] =	vst v4  }
0x65: {  	[tilespmem:s25+$0xD450] =	vst v3  }
0x66: {  	[tilespmem:s13], [sflag:$0x1] =	stream.indirect.gather [hbm4b:s4+s20], $0x40, s11, s20, $0xb8;
	[tilespmem:$0x15400] =	vst v63  }
0x67: {  	s24 =	simm.s32 $0x0  }
.LBB2_8:
0x68: {  	s25 =	sshllo.u32 s24, $0x1  }
0x69: {  	s26 =	smul.u32 $0x60, s25;
	_ =	sdelay $0x1  }
0x6a: {  	s26 =	sshra.s32 s26, $0x2  }
0x6b: {  	s26 =	sadd.s32 $0x6400, s26  }
0x6c: {  	[tilespmem:s16], [sflag:$0x2] =	stream.indirect.gather [hbm4b:s4+s20], $0x40, s26, s20, $0xb8;
	[tilespmem:$0x15400] =	vst v63  }
0x6d: {  	_ =	swait.ge [sflag:s18], $0x500  }
0x6e: {  	[sflag:s18] =	ssyncset.done $0x0  }
0x6f: {  	s31 =	simm.s32 $0x0;
	[sflag:s18] =	ssyncadd.s32 $0xFFFFFB00  }
0x70: {  	v3 =	vld [tilespmem:s31+$0x7030]  }
0x71: {  	v0 =	vld [tilespmem:s31+$0x7000]  }
0x72: {  	v5 =	vld [tilespmem:s31+$0x7010]  }
0x73: {  	v6 =	vld [tilespmem:s31+$0x7020];
	_ =	sdelay $0x1  }
0x74: {  	v2 =	vimm.f32 $0.0e+00;
	s28 =	simm.s32 $0x40  }
0x75: {  	v1 =	vld [tilespmem:s28+$0x7030];
	v4 =	vunpack.i.u.bf16.f32 v3;
	v7 =	vunpack.i.u.bf16.f32 v0;
	v8 =	vunpack.i.l.bf16.f32 v0  }
0x76: {  	v12 =	vld [tilespmem:s28+$0x7000];
	v9 =	vunpack.i.u.bf16.f32 v5;
	v5 =	vunpack.i.l.bf16.f32 v5;
	v0 =	vadd.f32 v4, v2  }
0x77: {  	v11 =	vld [tilespmem:s28+$0x7010];
	v13 =	vunpack.i.u.bf16.f32 v6;
	v4 =	vadd.f32 v8, v2;
	v8 =	vadd.f32 v7, v2  }
0x78: {  	v6 =	vunpack.i.l.bf16.f32 v6;
	v10 =	vadd.f32 v5, v2;
	v5 =	vadd.f32 v9, v2;
	v9 =	vld [tilespmem:s28+$0x7020]  }
0x79: {  	s26 =	simm.s32 $0x200;
	v7 =	vunpack.i.l.bf16.f32 v3;
	v6 =	vadd.f32 v6, v2;
	v3 =	vadd.f32 v13, v2  }
.LBB2_9:
0x7a: {  	s28 =	sshra.s32 s26, $0x2;
	p0 =	sne.s32 s26, $0x1300;
	s26 =	sadd.s32 $0x100, s26;
	v13 =	vunpack.i.u.bf16.f32 v1;
	v2 =	vadd.f32 v7, v2;
	v7 =	vunpack.i.l.bf16.f32 v1  }
.Ltmp3:
0x7b: {  	v1 =	vld [tilespmem:s28+$0x7030];
	v14 =	vunpack.i.u.bf16.f32 v12;
	v15 =	vunpack.i.l.bf16.f32 v12;
	v0 =	vadd.f32 v13, v0;
	(pc) =	sbr.rel @p0 .LBB2_9-.Ltmp3, $4  }
0x7c: {  	v12 =	vld [tilespmem:s28+$0x7000];
	v4 =	vadd.f32 v15, v4;
	v13 =	vunpack.i.u.bf16.f32 v11;
	v15 =	vunpack.i.l.bf16.f32 v11  }
0x7d: {  	v8 =	vadd.f32 v14, v8;
	v11 =	vld [tilespmem:s28+$0x7010];
	v14 =	vunpack.i.u.bf16.f32 v9;
	v16 =	vunpack.i.l.bf16.f32 v9  }
0x7e: {  	v10 =	vadd.f32 v15, v10;
	v5 =	vadd.f32 v13, v5;
	v9 =	vld [tilespmem:s28+$0x7020]  }
0x7f: {  	v6 =	vadd.f32 v16, v6;
	v3 =	vadd.f32 v14, v3  }
0x80: {  	_ = 	snop  }
0x81: {  	v13 =	vunpack.i.l.bf16.f32 v12  }
0x82: {  	s26 =	sshll.u32 s24, $0x8;
	v12 =	vunpack.i.u.bf16.f32 v12;
	v4 =	vadd.f32 v13, v4  }
0x83: {  	s26 =	sand.u32 $0x3FFFFF00, s26;
	v13 =	vunpack.i.l.bf16.f32 v11;
	v8 =	vadd.f32 v12, v8  }
0x84: {  	v11 =	vunpack.i.u.bf16.f32 v11;
	v10 =	vadd.f32 v13, v10;
	[tilespmem:s26+$0x11400] =	vst v4  }
0x85: {  	v2 =	vadd.f32 v7, v2;
	v5 =	vadd.f32 v11, v5;
	v7 =	vunpack.i.u.bf16.f32 v9;
	[tilespmem:s26+$0x11410] =	vst v8  }
0x86: {  	v4 =	vunpack.i.l.bf16.f32 v9;
	v3 =	vadd.f32 v7, v3;
	[tilespmem:s26+$0x11420] =	vst v10  }
0x87: {  	p0 =	seq.s32 s24, $0x3F;
	v4 =	vadd.f32 v4, v6;
	v6 =	vunpack.i.l.bf16.f32 v1;
	[tilespmem:s26+$0x11430] =	vst v5  }
0x88: {  	s28 =	smul.u32 @!p0 $0xC0, s24;
	v1 =	vunpack.i.u.bf16.f32 v1;
	v2 =	vadd.f32 v6, v2;
	[tilespmem:s26+$0x11450] =	vst v3  }
0x89: {  	v0 =	vadd.f32 v1, v0;
	[tilespmem:s26+$0x11440] =	vst v4  }
0x8a: {  	s28 =	sshra.s32 @!p0 s28, $0x2;
	[tilespmem:s26+$0x11460] =	vst v2  }
0x8b: {  	s29 =	simm.s32 @!p0 $0x7000;
	[tilespmem:s26+$0x11470] =	vst v0;
	s26 =	sadd.s32 @!p0 $0x6430, s28;
	s28 =	simm.s32 @!p0 $0x14  }
0x8c: {  	[tilespmem:s29], [sflag:$0x1] =	stream.indirect.gather @!p0 [hbm4b:s4+s28], $0x40, s26, s28, $0xb8;
	[tilespmem:$0x15400] =	vst v63  }
0x8d: {  	_ =	swait.ge [sflag:s19], $0x500  }
0x8e: {  	[sflag:s19] =	ssyncset.done $0x0  }
0x8f: {  	s30 =	simm.s32 $0x0;
	[sflag:s19] =	ssyncadd.s32 $0xFFFFFB00  }
0x90: {  	v3 =	vld [tilespmem:s30+$0xA230]  }
0x91: {  	v0 =	vld [tilespmem:s30+$0xA200]  }
0x92: {  	v5 =	vld [tilespmem:s30+$0xA210]  }
0x93: {  	v6 =	vld [tilespmem:s30+$0xA220];
	_ =	sdelay $0x1  }
0x94: {  	s31 =	simm.s32 $0x40;
	v2 =	vimm.f32 $0.0e+00  }
0x95: {  	v1 =	vld [tilespmem:s31+$0xA230];
	v4 =	vunpack.i.u.bf16.f32 v3;
	v7 =	vunpack.i.u.bf16.f32 v0;
	v8 =	vunpack.i.l.bf16.f32 v0  }
0x96: {  	v12 =	vld [tilespmem:s31+$0xA200];
	v9 =	vunpack.i.u.bf16.f32 v5;
	v5 =	vunpack.i.l.bf16.f32 v5;
	v0 =	vadd.f32 v4, v2  }
0x97: {  	v11 =	vld [tilespmem:s31+$0xA210];
	v13 =	vunpack.i.u.bf16.f32 v6;
	v4 =	vadd.f32 v8, v2;
	v8 =	vadd.f32 v7, v2  }
0x98: {  	v6 =	vunpack.i.l.bf16.f32 v6;
	v10 =	vadd.f32 v5, v2;
	v5 =	vadd.f32 v9, v2;
	v9 =	vld [tilespmem:s31+$0xA220]  }
0x99: {  	s26 =	simm.s32 $0x200;
	v7 =	vunpack.i.l.bf16.f32 v3;
	v6 =	vadd.f32 v6, v2;
	v3 =	vadd.f32 v13, v2  }
.LBB2_11:
0x9a: {  	s28 =	sshra.s32 s26, $0x2;
	p0 =	sne.s32 s26, $0x1300;
	s26 =	sadd.s32 $0x100, s26;
	v13 =	vunpack.i.u.bf16.f32 v1;
	v2 =	vadd.f32 v7, v2;
	v7 =	vunpack.i.l.bf16.f32 v1  }
.Ltmp4:
0x9b: {  	v1 =	vld [tilespmem:s28+$0xA230];
	v14 =	vunpack.i.u.bf16.f32 v12;
	v15 =	vunpack.i.l.bf16.f32 v12;
	v0 =	vadd.f32 v13, v0;
	(pc) =	sbr.rel @p0 .LBB2_11-.Ltmp4, $4  }
0x9c: {  	v12 =	vld [tilespmem:s28+$0xA200];
	v4 =	vadd.f32 v15, v4;
	v13 =	vunpack.i.u.bf16.f32 v11;
	v15 =	vunpack.i.l.bf16.f32 v11  }
0x9d: {  	v8 =	vadd.f32 v14, v8;
	v11 =	vld [tilespmem:s28+$0xA210];
	v14 =	vunpack.i.u.bf16.f32 v9;
	v16 =	vunpack.i.l.bf16.f32 v9  }
0x9e: {  	v10 =	vadd.f32 v15, v10;
	v5 =	vadd.f32 v13, v5;
	v9 =	vld [tilespmem:s28+$0xA220]  }
0x9f: {  	v6 =	vadd.f32 v16, v6;
	v3 =	vadd.f32 v14, v3  }
0xa0: {  	v63 =	vunpack.i.u.bf16.f32 v1  }
0xa1: {  	s25 =	sshll.u32 s25, $0x7;
	v13 =	vunpack.i.l.bf16.f32 v12;
	v0 =	vadd.f32 v63, v0  }
0xa2: {  	v2 =	vadd.f32 v7, v2;
	v57 =	vunpack.i.u.bf16.f32 v12;
	s25 =	sand.u32 $0x3FFFFF80, s25;
	v4 =	vadd.f32 v13, v4  }
0xa3: {  	v62 =	vunpack.i.l.bf16.f32 v1;
	v8 =	vadd.f32 v57, v8;
	[tilespmem:s25+$0x11470] =	vst v0  }
0xa4: {  	s24 =	sadd.s32 $0x1, s24;
	v58 =	vunpack.i.l.bf16.f32 v11;
	v2 =	vadd.f32 v62, v2;
	[tilespmem:s25+$0x11400] =	vst v4  }
0xa5: {  	p0 =	sne.s32 s24, $0x40;
	v59 =	vunpack.i.u.bf16.f32 v11;
	v10 =	vadd.f32 v58, v10;
	[tilespmem:s25+$0x11410] =	vst v8  }
.Ltmp5:
0xa6: {  	v60 =	vunpack.i.l.bf16.f32 v9;
	v5 =	vadd.f32 v59, v5;
	[tilespmem:s25+$0x11460] =	vst v2;
	(pc) =	sbr.rel @p0 .LBB2_8-.Ltmp5, $4  }
0xa7: {  	v61 =	vunpack.i.u.bf16.f32 v9;
	v4 =	vadd.f32 v60, v6;
	[tilespmem:s25+$0x11420] =	vst v10  }
0xa8: {  	v3 =	vadd.f32 v61, v3;
	[tilespmem:s25+$0x11430] =	vst v5  }
0xa9: {  	[tilespmem:s25+$0x11440] =	vst v4  }
0xaa: {  	[tilespmem:s25+$0x11450] =	vst v3  }
0xab: {  	[hbm4b:s7+s2] =	stream.linear.scatter [tilespmem:s21], [sflag:$0x3], $0x4000, $0x38;
	[tilespmem:$0x15400] =	vst v63  }
0xac: {  	s23 =	sadd.s32 $0x1, s23;
	_ =	swait.ge [sflag:s10], $0x4000  }
0xad: {  	p0 =	sne.s32 s23, s9;
	[sflag:s10] =	ssyncset.done $0x0  }
.Ltmp6:
0xae: {  	[sflag:s10] =	ssyncadd.s32 $0xFFFFC000;
	(pc) =	sbr.rel @p0 .LBB2_1-.Ltmp6, $4  }
0xaf: {  	[hbm4b:s8+s2] =	stream.linear.scatter [tilespmem:s22], [sflag:$0x3], $0x4000, $0x38;
	[tilespmem:$0x15400] =	vst v63  }
0xb0: {  	_ =	swait.ge [sflag:s10], $0x4000  }
0xb1: {  	[sflag:s10] =	ssyncset.done $0x0  }
0xb2: {  	[sflag:s10] =	ssyncadd.s32 $0xFFFFC000  }
0xb3: {  	_ =	sfence.sel $0x180000  }
0xb4: {  	[bflag:$0x0] =	sbarrier.arrive $0xFFFF  }
0xb5: {  	p0 =	sne.s32 s0, $0x0;
	_ =	strace $0x90000047  }
0xb6: {  	s0 =	sadd.s32 @!p0 $0x100000, s1;
	[bflag:$0x2] =	sbarrier.arrive $0xFFFF  }
0xb7: {  	[sflag:s0] =	ssyncadd.tile.s32 @!p0 $0x1;
	_ =	shalt  }
.Lfunc_end2:
_tile_overlayer_lowered:
.L_overlay_start_2:
0xb8: {  	(tag) =	ssettag $0x2  }
0xb9: {  	s0 =	rddreg [dreg:$0x0];
	s2 =	stileid.u32  }
0xba: {  	s1 =	rddreg [dreg:$0x1];
	p0 =	sne.s32 s2, $0x0  }
0xbb: {  	s3 =	rddreg [dreg:$0x2];
	[bflag:$0x3] =	sbarrier.arrive $0xFFFF;
	s2 =	simm.s32 @!p0 $0x1C03  }
0xbc: {  	[timem:s3], [sflag:s2] =	dma.local @!p0 [hbm:s0], s1  }
0xbd: {  	s0 =	simm.s32 @!p0 $0x3  }
0xbe: {  	_ =	swait.ge @!p0 [sflag:s0], s1  }
0xbf: {  	s1 =	ssub.s32 @!p0 $0x0, s1;
	[sflag:s0] =	ssyncset.done @!p0 $0x0  }
0xc0: {  	[sflag:s0] =	ssyncadd.s32 @!p0 s1  }
0xc1: {  	[bflag:$0x3] =	sbarrier.arrive $0xFFFF  }
0xc2: {  	_ =	shalt  }

</sc_bundles>
